<compile_context>
chip_gen: v7x
topology: tpu7x:2x2x1
jax: 0.10.2.dev20260603
libtpu: 0.0.44.dev20260713+nightly
codegen_flags: <defaults>
</compile_context>

<pallas_src>
import functools
import math

import jax
import jax.numpy as jnp
from jax import lax
from jax.experimental import pallas as pl
from jax.experimental.pallas import tpu as pltpu
from jax.experimental.pallas import tpu_sc as plsc

F = 26
VOCAB = 100000
D = 32
D_OUT = 128
B = 16384

_NW = 32
_BSUB = 4096
_NB = B // _BSUB


def _sc_gather_body(idxT_hbm, table_hbm, out_hbm, vec_v, idx_v, out_v,
                    isem, osem, vsem):
    nc = 2
    d = lax.axis_index("s") * nc + lax.axis_index("c")

    def idx_drain1():
        pltpu.make_async_copy(idxT_hbm.at[0, pl.ds(0, _BSUB)], idx_v.at[0],
                              isem).wait()

    def out_drain1():
        pltpu.make_async_copy(out_v.at[0], out_hbm.at[0, pl.ds(0, _BSUB)],
                              osem).wait()

    def vec_start(f):
        pltpu.async_copy(table_hbm.at[f, d], vec_v, vsem)

    def vec_wait():
        pltpu.make_async_copy(table_hbm.at[0, 0], vec_v, vsem).wait()

    def per_field(f, carry):
        with jax.named_scope("vecwait"):
            vec_wait()
        row = f * D + d
        for c in range(_NB):
            t = c % 2
            idx_drain1()
            if c + 1 < _NB:
                pltpu.async_copy(idxT_hbm.at[f, pl.ds((c + 1) * _BSUB, _BSUB)],
                                 idx_v.at[(c + 1) % 2], isem)
            if c >= 2:
                out_drain1()

            @plsc.parallel_loop(0, _BSUB // 16, unroll=8)
            def gidx(i, t=t):
                sl = pl.ds(i * 16, 16)
                out_v[t, sl] = plsc.load_gather(vec_v, [idx_v[t, sl]])
            pltpu.async_copy(out_v.at[t],
                             out_hbm.at[row, pl.ds(c * _BSUB, _BSUB)], osem)

        @pl.when(f + 1 < F)
        def _prefetch_next():
            pltpu.async_copy(idxT_hbm.at[f + 1, pl.ds(0, _BSUB)], idx_v.at[0],
                             isem)
            vec_start(f + 1)

        with jax.named_scope("taildrain"):
            out_drain1()
            out_drain1()
        return carry

    pltpu.async_copy(idxT_hbm.at[0, pl.ds(0, _BSUB)], idx_v.at[0], isem)
    vec_start(0)
    lax.fori_loop(0, F, per_field, None)


@functools.partial(
    pl.kernel,
    mesh=plsc.VectorSubcoreMesh(core_axis_name="c", subcore_axis_name="s"),
    out_type=jax.ShapeDtypeStruct((F * D, B), jnp.float32),
    scratch_types=[
        pltpu.VMEM((VOCAB,), jnp.float32),
        pltpu.VMEM((2, _BSUB), jnp.int32),
        pltpu.VMEM((2, _BSUB), jnp.float32),
        pltpu.SemaphoreType.DMA,
        pltpu.SemaphoreType.DMA,
        pltpu.SemaphoreType.DMA,
    ],
    compiler_params=pltpu.CompilerParams(use_tc_tiling_on_sc=True,
                                         needs_layout_passes=False),
)
def _sc_gather(idxT_hbm, table_hbm, out_hbm, vec_v, idx_v, out_v, isem, osem,
               vsem):
    _sc_gather_body(idxT_hbm, table_hbm, out_hbm, vec_v, idx_v, out_v,
                    isem, osem, vsem)


_BM = 2048


def _tc_mlp_body(x_ref, w_ref, b_ref, g_ref, be_ref, o_ref):
    y = lax.dot_general(x_ref[...], w_ref[...], (((0,), (0,)), ((), ())),
                        preferred_element_type=jnp.float32) + b_ref[...]
    mu = jnp.mean(y, axis=-1, keepdims=True)
    var = jnp.mean((y - mu) * (y - mu), axis=-1, keepdims=True)
    y = (y - mu) * lax.rsqrt(var + 1e-5)
    y = y * g_ref[...] + be_ref[...]
    o_ref[...] = y * 0.5 * (1.0 + lax.erf(y * (1.0 / math.sqrt(2.0))))


def _tc_mlp(xT, W, b, gamma, beta):
    grid = (B // _BM,)
    return pl.pallas_call(
        _tc_mlp_body,
        grid=grid,
        in_specs=[
            pl.BlockSpec((F * D, _BM), lambda i: (0, i)),
            pl.BlockSpec((F * D, D_OUT), lambda i: (0, 0)),
            pl.BlockSpec((1, D_OUT), lambda i: (0, 0)),
            pl.BlockSpec((1, D_OUT), lambda i: (0, 0)),
            pl.BlockSpec((1, D_OUT), lambda i: (0, 0)),
        ],
        out_specs=pl.BlockSpec((_BM, D_OUT), lambda i: (i, 0)),
        out_shape=jax.ShapeDtypeStruct((B, D_OUT), jnp.float32),
    )(xT, W, b, gamma, beta)


def kernel(batch_factors, emb, W, b, gamma, beta):
    idxT = batch_factors.T
    embT = jnp.swapaxes(emb, 1, 2)
    xT = _sc_gather(idxT, embT)
    out = _tc_mlp(xT, W, b.reshape(1, D_OUT), gamma.reshape(1, D_OUT),
                  beta.reshape(1, D_OUT))
    return (out, jnp.ones((F,), dtype=jnp.float32))

# --- scband reference (transcript-rebuilt; emitter-appended) ---
"""Pipeline reference for scband-batch-encoder-cat-63995012710998 (READ-ONLY COPY).

The authoritative reference and input builder live on the scoring server;
editing this copy changes nothing except your own understanding.
"""

import jax, jax.numpy as jnp
import numpy as np

N_FIELDS = 26
VOCAB = 100000
D_EMBED = 32
D_OUT = 128
BATCH = 16384


def setup_inputs(seed: int = 0) -> dict:
    key = jax.random.key(seed)
    ks = jax.random.split(key, 6)
    batch_factors = jax.random.randint(ks[0], (BATCH, N_FIELDS), 0, VOCAB, dtype=jnp.int32)
    emb = jax.random.normal(ks[1], (N_FIELDS, VOCAB, D_EMBED), dtype=jnp.float32)
    W = jax.random.normal(ks[2], (N_FIELDS * D_EMBED, D_OUT), dtype=jnp.float32) * 0.02
    b = jnp.zeros((D_OUT,), dtype=jnp.float32)
    gamma = jnp.ones((D_OUT,), dtype=jnp.float32)
    beta = jnp.zeros((D_OUT,), dtype=jnp.float32)
    return {"batch_factors": batch_factors, "emb": emb, "W": W, "b": b, "gamma": gamma, "beta": beta}


def reference(batch_factors, emb, W, b, gamma, beta):
    # per-field embedding lookup: emb[f][batch_factors[:, f]] for each field f
    gathered = jax.vmap(lambda table, ids: jnp.take(table, ids, axis=0), in_axes=(0, 1), out_axes=1)(emb, batch_factors)  # [B, F, D]
    x = gathered.reshape(gathered.shape[0], -1)  # hstack of per-field embeds -> [B, F*D]
    # Linear
    x = x @ W + b
    # LayerNorm (eps=1e-5, torch default)
    mu = jnp.mean(x, axis=-1, keepdims=True)
    var = jnp.var(x, axis=-1, keepdims=True)
    x = (x - mu) / jnp.sqrt(var + 1e-5)
    x = x * gamma + beta
    # GELU (exact, torch default)
    x = jax.nn.gelu(x, approximate=False)
    # Dropout is identity in eval mode
    weights = jnp.ones((N_FIELDS,), dtype=jnp.float32)
    return (x, weights)

if __name__ == "__main__":
    import jax
    _d = setup_inputs()
    print(jax.jit(kernel)(*tuple(_d.values())))

</pallas_src>

<mosaic_0001>
#map = affine_map<(d0, d1) -> (0, 0)>
#map1 = affine_map<(d0, d1) -> (0, 0, 0)>
module attributes {stable_mosaic.version = 14 : i64} {
  func.func @_sc_gather(%arg0: i32, %arg1: i32, %arg2: memref<26x16384xi32, #tpu.memory_space<hbm>>, %arg3: memref<26x32x100000xf32, #tpu.memory_space<hbm>>, %arg4: memref<832x16384xf32, #tpu.memory_space<hbm>>, %arg5: memref<100000xf32, #tpu.memory_space<vmem>>, %arg6: memref<2x4096xi32, #tpu.memory_space<vmem>>, %arg7: memref<2x4096xf32, #tpu.memory_space<vmem>>, %arg8: memref<!tpu.dma_semaphore, #tpu.memory_space<semaphore_mem>>, %arg9: memref<!tpu.dma_semaphore, #tpu.memory_space<semaphore_mem>>, %arg10: memref<!tpu.dma_semaphore, #tpu.memory_space<semaphore_mem>>) attributes {dimension_semantics = [#tpu.dimension_semantics<core_parallel>, #tpu.dimension_semantics<subcore_parallel>], iteration_bounds = array<i64: 2, 16>, scalar_prefetch = 0 : i64, scratch_operands = 6 : i64, tpu.core_type = #tpu.core_type<sc_vector_subcore>, window_params = [{transform_indices = #map}, {transform_indices = #map1}, {transform_indices = #map}]} {
    %mul3A = arith.constant 2 : i32
    %mul3A_0 = arith.muli %arg1, %mul3A : i32
    %add3A = arith.addi %mul3A_0, %arg0 : i32
    %dma_start3A = arith.constant 0 : i32
    %dma_start3A_1 = arith.constant 0 : i32
    %dma_start3A_2 = arith.constant 0 : i32
    %dma_start3A_3 = tpu.memref_slice %arg6[%dma_start3A_1, %dma_start3A_2] : memref<2x4096xi32, #tpu.memory_space<vmem>> -> memref<1x4096xi32, #tpu.memory_space<vmem>>
    %dma_start3A_4 = tpu.memref_squeeze %dma_start3A_3 : memref<1x4096xi32, #tpu.memory_space<vmem>> -> memref<4096xi32, #tpu.memory_space<vmem>>
    %dma_start3A_5 = arith.constant 0 : i32
    %dma_start3A_6 = tpu.memref_slice %arg2[%dma_start3A, %dma_start3A_5] : memref<26x16384xi32, #tpu.memory_space<hbm>> -> memref<1x4096xi32, #tpu.memory_space<hbm>>
    %dma_start3A_7 = tpu.memref_squeeze %dma_start3A_6 : memref<1x4096xi32, #tpu.memory_space<hbm>> -> memref<4096xi32, #tpu.memory_space<hbm>>
    %dma_start3A_8 = arith.constant 0 : i32
    %dma_start3A_9 = tpu.memref_slice %arg6[%dma_start3A_1, %dma_start3A_8] : memref<2x4096xi32, #tpu.memory_space<vmem>> -> memref<1x4096xi32, #tpu.memory_space<vmem>>
    %dma_start3A_10 = tpu.memref_squeeze %dma_start3A_9 : memref<1x4096xi32, #tpu.memory_space<vmem>> -> memref<4096xi32, #tpu.memory_space<vmem>>
    %dma_start3A_11 = arith.constant 0 : i32
    %dma_start3A_12 = tpu.memref_slice %arg2[%dma_start3A, %dma_start3A_11] : memref<26x16384xi32, #tpu.memory_space<hbm>> -> memref<1x4096xi32, #tpu.memory_space<hbm>>
    %dma_start3A_13 = tpu.memref_squeeze %dma_start3A_12 : memref<1x4096xi32, #tpu.memory_space<hbm>> -> memref<4096xi32, #tpu.memory_space<hbm>>
    tpu.enqueue_dma source(%dma_start3A_13 : memref<4096xi32, #tpu.memory_space<hbm>>) target(%dma_start3A_10 : memref<4096xi32, #tpu.memory_space<vmem>>) target_semaphore(%arg8 : memref<!tpu.dma_semaphore, #tpu.memory_space<semaphore_mem>>)
    %dma_start3A_14 = arith.constant 0 : i32
    %dma_start3A_15 = arith.constant 0 : i32
    %dma_start3A_16 = tpu.memref_slice %arg3[%dma_start3A_14, %add3A, %dma_start3A_15] : memref<26x32x100000xf32, #tpu.memory_space<hbm>> -> memref<1x1x100000xf32, #tpu.memory_space<hbm>>
    %dma_start3A_17 = tpu.memref_squeeze %dma_start3A_16 : memref<1x1x100000xf32, #tpu.memory_space<hbm>> -> memref<100000xf32, #tpu.memory_space<hbm>>
    %dma_start3A_18 = arith.constant 0 : i32
    %dma_start3A_19 = tpu.memref_slice %arg3[%dma_start3A_14, %add3A, %dma_start3A_18] : memref<26x32x100000xf32, #tpu.memory_space<hbm>> -> memref<1x1x100000xf32, #tpu.memory_space<hbm>>
    %dma_start3A_20 = tpu.memref_squeeze %dma_start3A_19 : memref<1x1x100000xf32, #tpu.memory_space<hbm>> -> memref<100000xf32, #tpu.memory_space<hbm>>
    tpu.enqueue_dma source(%dma_start3A_20 : memref<100000xf32, #tpu.memory_space<hbm>>) target(%arg5 : memref<100000xf32, #tpu.memory_space<vmem>>) target_semaphore(%arg10 : memref<!tpu.dma_semaphore, #tpu.memory_space<semaphore_mem>>)
    %scan3A = arith.constant 0 : i32
    %scan3A_21 = arith.constant 26 : i32
    %scan3A_22 = arith.addi %scan3A, %scan3A_21 : i32
    %scan3A_23 = arith.constant 1 : i32
    scf.for %scan3A_25 = %scan3A to %scan3A_22 step %scan3A_23  : i32 {
      %dma_wait3A = arith.constant 0 : i32
      %dma_wait3A_26 = arith.constant 0 : i32
      "tpu.trace_start"() <{level = 10 : i32, message = "vecwait"}> : () -> ()
      %dma_wait3A_27 = arith.constant 0 : i32
      %dma_wait3A_28 = tpu.memref_slice %arg3[%dma_wait3A, %dma_wait3A_26, %dma_wait3A_27] : memref<26x32x100000xf32, #tpu.memory_space<hbm>> -> memref<1x1x100000xf32, #tpu.memory_space<hbm>>
      %dma_wait3A_29 = tpu.memref_squeeze %dma_wait3A_28 : memref<1x1x100000xf32, #tpu.memory_space<hbm>> -> memref<100000xf32, #tpu.memory_space<hbm>>
      %dma_wait3A_30 = arith.constant 0 : i32
      %dma_wait3A_31 = tpu.memref_slice %arg3[%dma_wait3A, %dma_wait3A_26, %dma_wait3A_30] : memref<26x32x100000xf32, #tpu.memory_space<hbm>> -> memref<1x1x100000xf32, #tpu.memory_space<hbm>>
      %dma_wait3A_32 = tpu.memref_squeeze %dma_wait3A_31 : memref<1x1x100000xf32, #tpu.memory_space<hbm>> -> memref<100000xf32, #tpu.memory_space<hbm>>
      tpu.wait_dma2 semaphore(%arg10 : memref<!tpu.dma_semaphore, #tpu.memory_space<semaphore_mem>>) src(%dma_wait3A_32 : memref<100000xf32, #tpu.memory_space<hbm>>) dst(%arg5 : memref<100000xf32, #tpu.memory_space<vmem>>)
      "tpu.trace_stop"() : () -> ()
      %mul3A_33 = arith.constant 32 : i32
      %mul3A_34 = arith.muli %scan3A_25, %mul3A_33 : i32
      %add3A_35 = arith.addi %mul3A_34, %add3A : i32
      %dma_wait3A_36 = arith.constant 0 : i32
      %dma_wait3A_37 = arith.constant 0 : i32
      %dma_wait3A_38 = arith.constant 0 : i32
      %dma_wait3A_39 = tpu.memref_slice %arg6[%dma_wait3A_37, %dma_wait3A_38] : memref<2x4096xi32, #tpu.memory_space<vmem>> -> memref<1x4096xi32, #tpu.memory_space<vmem>>
      %dma_wait3A_40 = tpu.memref_squeeze %dma_wait3A_39 : memref<1x4096xi32, #tpu.memory_space<vmem>> -> memref<4096xi32, #tpu.memory_space<vmem>>
      %dma_wait3A_41 = arith.constant 0 : i32
      %dma_wait3A_42 = tpu.memref_slice %arg2[%dma_wait3A_36, %dma_wait3A_41] : memref<26x16384xi32, #tpu.memory_space<hbm>> -> memref<1x4096xi32, #tpu.memory_space<hbm>>
      %dma_wait3A_43 = tpu.memref_squeeze %dma_wait3A_42 : memref<1x4096xi32, #tpu.memory_space<hbm>> -> memref<4096xi32, #tpu.memory_space<hbm>>
      %dma_wait3A_44 = arith.constant 0 : i32
      %dma_wait3A_45 = tpu.memref_slice %arg6[%dma_wait3A_37, %dma_wait3A_44] : memref<2x4096xi32, #tpu.memory_space<vmem>> -> memref<1x4096xi32, #tpu.memory_space<vmem>>
      %dma_wait3A_46 = tpu.memref_squeeze %dma_wait3A_45 : memref<1x4096xi32, #tpu.memory_space<vmem>> -> memref<4096xi32, #tpu.memory_space<vmem>>
      %dma_wait3A_47 = arith.constant 0 : i32
      %dma_wait3A_48 = tpu.memref_slice %arg2[%dma_wait3A_36, %dma_wait3A_47] : memref<26x16384xi32, #tpu.memory_space<hbm>> -> memref<1x4096xi32, #tpu.memory_space<hbm>>
      %dma_wait3A_49 = tpu.memref_squeeze %dma_wait3A_48 : memref<1x4096xi32, #tpu.memory_space<hbm>> -> memref<4096xi32, #tpu.memory_space<hbm>>
      tpu.wait_dma2 semaphore(%arg8 : memref<!tpu.dma_semaphore, #tpu.memory_space<semaphore_mem>>) src(%dma_wait3A_49 : memref<4096xi32, #tpu.memory_space<hbm>>) dst(%dma_wait3A_46 : memref<4096xi32, #tpu.memory_space<vmem>>)
      %dma_start3A_50 = arith.constant 1 : i32
      %dma_start3A_51 = arith.constant 0 : i32
      %dma_start3A_52 = tpu.memref_slice %arg6[%dma_start3A_50, %dma_start3A_51] : memref<2x4096xi32, #tpu.memory_space<vmem>> -> memref<1x4096xi32, #tpu.memory_space<vmem>>
      %dma_start3A_53 = tpu.memref_squeeze %dma_start3A_52 : memref<1x4096xi32, #tpu.memory_space<vmem>> -> memref<4096xi32, #tpu.memory_space<vmem>>
      %dma_start3A_54 = arith.constant 4096 : i32
      %dma_start3A_55 = tpu.memref_slice %arg2[%scan3A_25, %dma_start3A_54] : memref<26x16384xi32, #tpu.memory_space<hbm>> -> memref<1x4096xi32, #tpu.memory_space<hbm>>
      %dma_start3A_56 = tpu.memref_squeeze %dma_start3A_55 : memref<1x4096xi32, #tpu.memory_space<hbm>> -> memref<4096xi32, #tpu.memory_space<hbm>>
      %dma_start3A_57 = arith.constant 0 : i32
      %dma_start3A_58 = tpu.memref_slice %arg6[%dma_start3A_50, %dma_start3A_57] : memref<2x4096xi32, #tpu.memory_space<vmem>> -> memref<1x4096xi32, #tpu.memory_space<vmem>>
      %dma_start3A_59 = tpu.memref_squeeze %dma_start3A_58 : memref<1x4096xi32, #tpu.memory_space<vmem>> -> memref<4096xi32, #tpu.memory_space<vmem>>
      %dma_start3A_60 = arith.constant 4096 : i32
      %dma_start3A_61 = tpu.memref_slice %arg2[%scan3A_25, %dma_start3A_60] : memref<26x16384xi32, #tpu.memory_space<hbm>> -> memref<1x4096xi32, #tpu.memory_space<hbm>>
      %dma_start3A_62 = tpu.memref_squeeze %dma_start3A_61 : memref<1x4096xi32, #tpu.memory_space<hbm>> -> memref<4096xi32, #tpu.memory_space<hbm>>
      tpu.enqueue_dma source(%dma_start3A_62 : memref<4096xi32, #tpu.memory_space<hbm>>) target(%dma_start3A_59 : memref<4096xi32, #tpu.memory_space<vmem>>) target_semaphore(%arg8 : memref<!tpu.dma_semaphore, #tpu.memory_space<semaphore_mem>>)
      %parallel_loop3A = arith.constant 0 : i32
      %parallel_loop3A_63 = arith.constant 256 : i32
      %parallel_loop3A_64 = arith.constant 1 : i32
      scf.for %parallel_loop3A_254 = %parallel_loop3A to %parallel_loop3A_63 step %parallel_loop3A_64  : i32 {
        %parallel_loop3A_255 = arith.constant 16 : i32
        %parallel_loop3A_256 = arith.muli %parallel_loop3A_254, %parallel_loop3A_255 : i32
        %parallel_loop3A_257 = arith.constant 0 : i32
        %parallel_loop3A_258 = arith.index_cast %parallel_loop3A_257 : i32 to index
        %parallel_loop3A_259 = arith.index_cast %parallel_loop3A_256 : i32 to index
        %parallel_loop3A_260 = tpu.vector_load %arg6[%parallel_loop3A_258, %parallel_loop3A_259] {strides = array<i32>} : memref<2x4096xi32, #tpu.memory_space<vmem>>, vector<16xi32>,
        %parallel_loop3A_261 = tpu.vector_load_idx %arg5[%parallel_loop3A_260] : memref<100000xf32, #tpu.memory_space<vmem>>[vector<16xi32>], vector<16xf32>,
        %parallel_loop3A_262 = arith.constant 0 : i32
        %parallel_loop3A_263 = arith.index_cast %parallel_loop3A_262 : i32 to index
        %parallel_loop3A_264 = arith.index_cast %parallel_loop3A_256 : i32 to index
        %parallel_loop3A_265 = tpu.vector_load %arg7[%parallel_loop3A_263, %parallel_loop3A_264] {strides = array<i32>} : memref<2x4096xf32, #tpu.memory_space<vmem>>, vector<16xf32>,
        tpu.vector_store %arg7[%parallel_loop3A_263, %parallel_loop3A_264], %parallel_loop3A_261 {strides = array<i32>} : memref<2x4096xf32, #tpu.memory_space<vmem>>, vector<16xf32>,
      } {sc.loop_unroll_factor = 8 : i64, sc.parallel_access}
      %dma_start3A_65 = arith.constant 0 : i32
      %dma_start3A_66 = arith.constant 0 : i32
      %dma_start3A_67 = tpu.memref_slice %arg7[%dma_start3A_65, %dma_start3A_66] : memref<2x4096xf32, #tpu.memory_space<vmem>> -> memref<1x4096xf32, #tpu.memory_space<vmem>>
      %dma_start3A_68 = tpu.memref_squeeze %dma_start3A_67 : memref<1x4096xf32, #tpu.memory_space<vmem>> -> memref<4096xf32, #tpu.memory_space<vmem>>
      %dma_start3A_69 = arith.constant 0 : i32
      %dma_start3A_70 = tpu.memref_slice %arg4[%add3A_35, %dma_start3A_69] : memref<832x16384xf32, #tpu.memory_space<hbm>> -> memref<1x4096xf32, #tpu.memory_space<hbm>>
      %dma_start3A_71 = tpu.memref_squeeze %dma_start3A_70 : memref<1x4096xf32, #tpu.memory_space<hbm>> -> memref<4096xf32, #tpu.memory_space<hbm>>
      %dma_start3A_72 = arith.constant 0 : i32
      %dma_start3A_73 = tpu.memref_slice %arg4[%add3A_35, %dma_start3A_72] : memref<832x16384xf32, #tpu.memory_space<hbm>> -> memref<1x4096xf32, #tpu.memory_space<hbm>>
      %dma_start3A_74 = tpu.memref_squeeze %dma_start3A_73 : memref<1x4096xf32, #tpu.memory_space<hbm>> -> memref<4096xf32, #tpu.memory_space<hbm>>
      %dma_start3A_75 = arith.constant 0 : i32
      %dma_start3A_76 = tpu.memref_slice %arg7[%dma_start3A_65, %dma_start3A_75] : memref<2x4096xf32, #tpu.memory_space<vmem>> -> memref<1x4096xf32, #tpu.memory_space<vmem>>
      %dma_start3A_77 = tpu.memref_squeeze %dma_start3A_76 : memref<1x4096xf32, #tpu.memory_space<vmem>> -> memref<4096xf32, #tpu.memory_space<vmem>>
      tpu.enqueue_dma source(%dma_start3A_77 : memref<4096xf32, #tpu.memory_space<vmem>>) target(%dma_start3A_74 : memref<4096xf32, #tpu.memory_space<hbm>>) target_semaphore(%arg9 : memref<!tpu.dma_semaphore, #tpu.memory_space<semaphore_mem>>)
      %dma_wait3A_78 = arith.constant 0 : i32
      %dma_wait3A_79 = arith.constant 0 : i32
      %dma_wait3A_80 = arith.constant 0 : i32
      %dma_wait3A_81 = tpu.memref_slice %arg6[%dma_wait3A_79, %dma_wait3A_80] : memref<2x4096xi32, #tpu.memory_space<vmem>> -> memref<1x4096xi32, #tpu.memory_space<vmem>>
      %dma_wait3A_82 = tpu.memref_squeeze %dma_wait3A_81 : memref<1x4096xi32, #tpu.memory_space<vmem>> -> memref<4096xi32, #tpu.memory_space<vmem>>
      %dma_wait3A_83 = arith.constant 0 : i32
      %dma_wait3A_84 = tpu.memref_slice %arg2[%dma_wait3A_78, %dma_wait3A_83] : memref<26x16384xi32, #tpu.memory_space<hbm>> -> memref<1x4096xi32, #tpu.memory_space<hbm>>
      %dma_wait3A_85 = tpu.memref_squeeze %dma_wait3A_84 : memref<1x4096xi32, #tpu.memory_space<hbm>> -> memref<4096xi32, #tpu.memory_space<hbm>>
      %dma_wait3A_86 = arith.constant 0 : i32
      %dma_wait3A_87 = tpu.memref_slice %arg6[%dma_wait3A_79, %dma_wait3A_86] : memref<2x4096xi32, #tpu.memory_space<vmem>> -> memref<1x4096xi32, #tpu.memory_space<vmem>>
      %dma_wait3A_88 = tpu.memref_squeeze %dma_wait3A_87 : memref<1x4096xi32, #tpu.memory_space<vmem>> -> memref<4096xi32, #tpu.memory_space<vmem>>
      %dma_wait3A_89 = arith.constant 0 : i32
      %dma_wait3A_90 = tpu.memref_slice %arg2[%dma_wait3A_78, %dma_wait3A_89] : memref<26x16384xi32, #tpu.memory_space<hbm>> -> memref<1x4096xi32, #tpu.memory_space<hbm>>
      %dma_wait3A_91 = tpu.memref_squeeze %dma_wait3A_90 : memref<1x4096xi32, #tpu.memory_space<hbm>> -> memref<4096xi32, #tpu.memory_space<hbm>>
      tpu.wait_dma2 semaphore(%arg8 : memref<!tpu.dma_semaphore, #tpu.memory_space<semaphore_mem>>) src(%dma_wait3A_91 : memref<4096xi32, #tpu.memory_space<hbm>>) dst(%dma_wait3A_88 : memref<4096xi32, #tpu.memory_space<vmem>>)
      %dma_start3A_92 = arith.constant 0 : i32
      %dma_start3A_93 = arith.constant 0 : i32
      %dma_start3A_94 = tpu.memref_slice %arg6[%dma_start3A_92, %dma_start3A_93] : memref<2x4096xi32, #tpu.memory_space<vmem>> -> memref<1x4096xi32, #tpu.memory_space<vmem>>
      %dma_start3A_95 = tpu.memref_squeeze %dma_start3A_94 : memref<1x4096xi32, #tpu.memory_space<vmem>> -> memref<4096xi32, #tpu.memory_space<vmem>>
      %dma_start3A_96 = arith.constant 8192 : i32
      %dma_start3A_97 = tpu.memref_slice %arg2[%scan3A_25, %dma_start3A_96] : memref<26x16384xi32, #tpu.memory_space<hbm>> -> memref<1x4096xi32, #tpu.memory_space<hbm>>
      %dma_start3A_98 = tpu.memref_squeeze %dma_start3A_97 : memref<1x4096xi32, #tpu.memory_space<hbm>> -> memref<4096xi32, #tpu.memory_space<hbm>>
      %dma_start3A_99 = arith.constant 0 : i32
      %dma_start3A_100 = tpu.memref_slice %arg6[%dma_start3A_92, %dma_start3A_99] : memref<2x4096xi32, #tpu.memory_space<vmem>> -> memref<1x4096xi32, #tpu.memory_space<vmem>>
      %dma_start3A_101 = tpu.memref_squeeze %dma_start3A_100 : memref<1x4096xi32, #tpu.memory_space<vmem>> -> memref<4096xi32, #tpu.memory_space<vmem>>
      %dma_start3A_102 = arith.constant 8192 : i32
      %dma_start3A_103 = tpu.memref_slice %arg2[%scan3A_25, %dma_start3A_102] : memref<26x16384xi32, #tpu.memory_space<hbm>> -> memref<1x4096xi32, #tpu.memory_space<hbm>>
      %dma_start3A_104 = tpu.memref_squeeze %dma_start3A_103 : memref<1x4096xi32, #tpu.memory_space<hbm>> -> memref<4096xi32, #tpu.memory_space<hbm>>
      tpu.enqueue_dma source(%dma_start3A_104 : memref<4096xi32, #tpu.memory_space<hbm>>) target(%dma_start3A_101 : memref<4096xi32, #tpu.memory_space<vmem>>) target_semaphore(%arg8 : memref<!tpu.dma_semaphore, #tpu.memory_space<semaphore_mem>>)
      %parallel_loop3A_105 = arith.constant 0 : i32
      %parallel_loop3A_106 = arith.constant 256 : i32
      %parallel_loop3A_107 = arith.constant 1 : i32
      scf.for %parallel_loop3A_254 = %parallel_loop3A_105 to %parallel_loop3A_106 step %parallel_loop3A_107  : i32 {
        %parallel_loop3A_255 = arith.constant 16 : i32
        %parallel_loop3A_256 = arith.muli %parallel_loop3A_254, %parallel_loop3A_255 : i32
        %parallel_loop3A_257 = arith.constant 1 : i32
        %parallel_loop3A_258 = arith.index_cast %parallel_loop3A_257 : i32 to index
        %parallel_loop3A_259 = arith.index_cast %parallel_loop3A_256 : i32 to index
        %parallel_loop3A_260 = tpu.vector_load %arg6[%parallel_loop3A_258, %parallel_loop3A_259] {strides = array<i32>} : memref<2x4096xi32, #tpu.memory_space<vmem>>, vector<16xi32>,
        %parallel_loop3A_261 = tpu.vector_load_idx %arg5[%parallel_loop3A_260] : memref<100000xf32, #tpu.memory_space<vmem>>[vector<16xi32>], vector<16xf32>,
        %parallel_loop3A_262 = arith.constant 1 : i32
        %parallel_loop3A_263 = arith.index_cast %parallel_loop3A_262 : i32 to index
        %parallel_loop3A_264 = arith.index_cast %parallel_loop3A_256 : i32 to index
        %parallel_loop3A_265 = tpu.vector_load %arg7[%parallel_loop3A_263, %parallel_loop3A_264] {strides = array<i32>} : memref<2x4096xf32, #tpu.memory_space<vmem>>, vector<16xf32>,
        tpu.vector_store %arg7[%parallel_loop3A_263, %parallel_loop3A_264], %parallel_loop3A_261 {strides = array<i32>} : memref<2x4096xf32, #tpu.memory_space<vmem>>, vector<16xf32>,
      } {sc.loop_unroll_factor = 8 : i64, sc.parallel_access}
      %dma_start3A_108 = arith.constant 1 : i32
      %dma_start3A_109 = arith.constant 0 : i32
      %dma_start3A_110 = tpu.memref_slice %arg7[%dma_start3A_108, %dma_start3A_109] : memref<2x4096xf32, #tpu.memory_space<vmem>> -> memref<1x4096xf32, #tpu.memory_space<vmem>>
      %dma_start3A_111 = tpu.memref_squeeze %dma_start3A_110 : memref<1x4096xf32, #tpu.memory_space<vmem>> -> memref<4096xf32, #tpu.memory_space<vmem>>
      %dma_start3A_112 = arith.constant 4096 : i32
      %dma_start3A_113 = tpu.memref_slice %arg4[%add3A_35, %dma_start3A_112] : memref<832x16384xf32, #tpu.memory_space<hbm>> -> memref<1x4096xf32, #tpu.memory_space<hbm>>
      %dma_start3A_114 = tpu.memref_squeeze %dma_start3A_113 : memref<1x4096xf32, #tpu.memory_space<hbm>> -> memref<4096xf32, #tpu.memory_space<hbm>>
      %dma_start3A_115 = arith.constant 4096 : i32
      %dma_start3A_116 = tpu.memref_slice %arg4[%add3A_35, %dma_start3A_115] : memref<832x16384xf32, #tpu.memory_space<hbm>> -> memref<1x4096xf32, #tpu.memory_space<hbm>>
      %dma_start3A_117 = tpu.memref_squeeze %dma_start3A_116 : memref<1x4096xf32, #tpu.memory_space<hbm>> -> memref<4096xf32, #tpu.memory_space<hbm>>
      %dma_start3A_118 = arith.constant 0 : i32
      %dma_start3A_119 = tpu.memref_slice %arg7[%dma_start3A_108, %dma_start3A_118] : memref<2x4096xf32, #tpu.memory_space<vmem>> -> memref<1x4096xf32, #tpu.memory_space<vmem>>
      %dma_start3A_120 = tpu.memref_squeeze %dma_start3A_119 : memref<1x4096xf32, #tpu.memory_space<vmem>> -> memref<4096xf32, #tpu.memory_space<vmem>>
      tpu.enqueue_dma source(%dma_start3A_120 : memref<4096xf32, #tpu.memory_space<vmem>>) target(%dma_start3A_117 : memref<4096xf32, #tpu.memory_space<hbm>>) target_semaphore(%arg9 : memref<!tpu.dma_semaphore, #tpu.memory_space<semaphore_mem>>)
      %dma_wait3A_121 = arith.constant 0 : i32
      %dma_wait3A_122 = arith.constant 0 : i32
      %dma_wait3A_123 = arith.constant 0 : i32
      %dma_wait3A_124 = tpu.memref_slice %arg6[%dma_wait3A_122, %dma_wait3A_123] : memref<2x4096xi32, #tpu.memory_space<vmem>> -> memref<1x4096xi32, #tpu.memory_space<vmem>>
      %dma_wait3A_125 = tpu.memref_squeeze %dma_wait3A_124 : memref<1x4096xi32, #tpu.memory_space<vmem>> -> memref<4096xi32, #tpu.memory_space<vmem>>
      %dma_wait3A_126 = arith.constant 0 : i32
      %dma_wait3A_127 = tpu.memref_slice %arg2[%dma_wait3A_121, %dma_wait3A_126] : memref<26x16384xi32, #tpu.memory_space<hbm>> -> memref<1x4096xi32, #tpu.memory_space<hbm>>
      %dma_wait3A_128 = tpu.memref_squeeze %dma_wait3A_127 : memref<1x4096xi32, #tpu.memory_space<hbm>> -> memref<4096xi32, #tpu.memory_space<hbm>>
      %dma_wait3A_129 = arith.constant 0 : i32
      %dma_wait3A_130 = tpu.memref_slice %arg6[%dma_wait3A_122, %dma_wait3A_129] : memref<2x4096xi32, #tpu.memory_space<vmem>> -> memref<1x4096xi32, #tpu.memory_space<vmem>>
      %dma_wait3A_131 = tpu.memref_squeeze %dma_wait3A_130 : memref<1x4096xi32, #tpu.memory_space<vmem>> -> memref<4096xi32, #tpu.memory_space<vmem>>
      %dma_wait3A_132 = arith.constant 0 : i32
      %dma_wait3A_133 = tpu.memref_slice %arg2[%dma_wait3A_121, %dma_wait3A_132] : memref<26x16384xi32, #tpu.memory_space<hbm>> -> memref<1x4096xi32, #tpu.memory_space<hbm>>
      %dma_wait3A_134 = tpu.memref_squeeze %dma_wait3A_133 : memref<1x4096xi32, #tpu.memory_space<hbm>> -> memref<4096xi32, #tpu.memory_space<hbm>>
      tpu.wait_dma2 semaphore(%arg8 : memref<!tpu.dma_semaphore, #tpu.memory_space<semaphore_mem>>) src(%dma_wait3A_134 : memref<4096xi32, #tpu.memory_space<hbm>>) dst(%dma_wait3A_131 : memref<4096xi32, #tpu.memory_space<vmem>>)
      %dma_start3A_135 = arith.constant 1 : i32
      %dma_start3A_136 = arith.constant 0 : i32
      %dma_start3A_137 = tpu.memref_slice %arg6[%dma_start3A_135, %dma_start3A_136] : memref<2x4096xi32, #tpu.memory_space<vmem>> -> memref<1x4096xi32, #tpu.memory_space<vmem>>
      %dma_start3A_138 = tpu.memref_squeeze %dma_start3A_137 : memref<1x4096xi32, #tpu.memory_space<vmem>> -> memref<4096xi32, #tpu.memory_space<vmem>>
      %dma_start3A_139 = arith.constant 12288 : i32
      %dma_start3A_140 = tpu.memref_slice %arg2[%scan3A_25, %dma_start3A_139] : memref<26x16384xi32, #tpu.memory_space<hbm>> -> memref<1x4096xi32, #tpu.memory_space<hbm>>
      %dma_start3A_141 = tpu.memref_squeeze %dma_start3A_140 : memref<1x4096xi32, #tpu.memory_space<hbm>> -> memref<4096xi32, #tpu.memory_space<hbm>>
      %dma_start3A_142 = arith.constant 0 : i32
      %dma_start3A_143 = tpu.memref_slice %arg6[%dma_start3A_135, %dma_start3A_142] : memref<2x4096xi32, #tpu.memory_space<vmem>> -> memref<1x4096xi32, #tpu.memory_space<vmem>>
      %dma_start3A_144 = tpu.memref_squeeze %dma_start3A_143 : memref<1x4096xi32, #tpu.memory_space<vmem>> -> memref<4096xi32, #tpu.memory_space<vmem>>
      %dma_start3A_145 = arith.constant 12288 : i32
      %dma_start3A_146 = tpu.memref_slice %arg2[%scan3A_25, %dma_start3A_145] : memref<26x16384xi32, #tpu.memory_space<hbm>> -> memref<1x4096xi32, #tpu.memory_space<hbm>>
      %dma_start3A_147 = tpu.memref_squeeze %dma_start3A_146 : memref<1x4096xi32, #tpu.memory_space<hbm>> -> memref<4096xi32, #tpu.memory_space<hbm>>
      tpu.enqueue_dma source(%dma_start3A_147 : memref<4096xi32, #tpu.memory_space<hbm>>) target(%dma_start3A_144 : memref<4096xi32, #tpu.memory_space<vmem>>) target_semaphore(%arg8 : memref<!tpu.dma_semaphore, #tpu.memory_space<semaphore_mem>>)
      %dma_wait3A_148 = arith.constant 0 : i32
      %dma_wait3A_149 = arith.constant 0 : i32
      %dma_wait3A_150 = arith.constant 0 : i32
      %dma_wait3A_151 = tpu.memref_slice %arg7[%dma_wait3A_148, %dma_wait3A_150] : memref<2x4096xf32, #tpu.memory_space<vmem>> -> memref<1x4096xf32, #tpu.memory_space<vmem>>
      %dma_wait3A_152 = tpu.memref_squeeze %dma_wait3A_151 : memref<1x4096xf32, #tpu.memory_space<vmem>> -> memref<4096xf32, #tpu.memory_space<vmem>>
      %dma_wait3A_153 = arith.constant 0 : i32
      %dma_wait3A_154 = tpu.memref_slice %arg4[%dma_wait3A_149, %dma_wait3A_153] : memref<832x16384xf32, #tpu.memory_space<hbm>> -> memref<1x4096xf32, #tpu.memory_space<hbm>>
      %dma_wait3A_155 = tpu.memref_squeeze %dma_wait3A_154 : memref<1x4096xf32, #tpu.memory_space<hbm>> -> memref<4096xf32, #tpu.memory_space<hbm>>
      %dma_wait3A_156 = arith.constant 0 : i32
      %dma_wait3A_157 = tpu.memref_slice %arg4[%dma_wait3A_149, %dma_wait3A_156] : memref<832x16384xf32, #tpu.memory_space<hbm>> -> memref<1x4096xf32, #tpu.memory_space<hbm>>
      %dma_wait3A_158 = tpu.memref_squeeze %dma_wait3A_157 : memref<1x4096xf32, #tpu.memory_space<hbm>> -> memref<4096xf32, #tpu.memory_space<hbm>>
      %dma_wait3A_159 = arith.constant 0 : i32
      %dma_wait3A_160 = tpu.memref_slice %arg7[%dma_wait3A_148, %dma_wait3A_159] : memref<2x4096xf32, #tpu.memory_space<vmem>> -> memref<1x4096xf32, #tpu.memory_space<vmem>>
      %dma_wait3A_161 = tpu.memref_squeeze %dma_wait3A_160 : memref<1x4096xf32, #tpu.memory_space<vmem>> -> memref<4096xf32, #tpu.memory_space<vmem>>
      tpu.wait_dma2 semaphore(%arg9 : memref<!tpu.dma_semaphore, #tpu.memory_space<semaphore_mem>>) src(%dma_wait3A_161 : memref<4096xf32, #tpu.memory_space<vmem>>) dst(%dma_wait3A_158 : memref<4096xf32, #tpu.memory_space<hbm>>)
      %parallel_loop3A_162 = arith.constant 0 : i32
      %parallel_loop3A_163 = arith.constant 256 : i32
      %parallel_loop3A_164 = arith.constant 1 : i32
      scf.for %parallel_loop3A_254 = %parallel_loop3A_162 to %parallel_loop3A_163 step %parallel_loop3A_164  : i32 {
        %parallel_loop3A_255 = arith.constant 16 : i32
        %parallel_loop3A_256 = arith.muli %parallel_loop3A_254, %parallel_loop3A_255 : i32
        %parallel_loop3A_257 = arith.constant 0 : i32
        %parallel_loop3A_258 = arith.index_cast %parallel_loop3A_257 : i32 to index
        %parallel_loop3A_259 = arith.index_cast %parallel_loop3A_256 : i32 to index
        %parallel_loop3A_260 = tpu.vector_load %arg6[%parallel_loop3A_258, %parallel_loop3A_259] {strides = array<i32>} : memref<2x4096xi32, #tpu.memory_space<vmem>>, vector<16xi32>,
        %parallel_loop3A_261 = tpu.vector_load_idx %arg5[%parallel_loop3A_260] : memref<100000xf32, #tpu.memory_space<vmem>>[vector<16xi32>], vector<16xf32>,
        %parallel_loop3A_262 = arith.constant 0 : i32
        %parallel_loop3A_263 = arith.index_cast %parallel_loop3A_262 : i32 to index
        %parallel_loop3A_264 = arith.index_cast %parallel_loop3A_256 : i32 to index
        %parallel_loop3A_265 = tpu.vector_load %arg7[%parallel_loop3A_263, %parallel_loop3A_264] {strides = array<i32>} : memref<2x4096xf32, #tpu.memory_space<vmem>>, vector<16xf32>,
        tpu.vector_store %arg7[%parallel_loop3A_263, %parallel_loop3A_264], %parallel_loop3A_261 {strides = array<i32>} : memref<2x4096xf32, #tpu.memory_space<vmem>>, vector<16xf32>,
      } {sc.loop_unroll_factor = 8 : i64, sc.parallel_access}
      %dma_start3A_165 = arith.constant 0 : i32
      %dma_start3A_166 = arith.constant 0 : i32
      %dma_start3A_167 = tpu.memref_slice %arg7[%dma_start3A_165, %dma_start3A_166] : memref<2x4096xf32, #tpu.memory_space<vmem>> -> memref<1x4096xf32, #tpu.memory_space<vmem>>
      %dma_start3A_168 = tpu.memref_squeeze %dma_start3A_167 : memref<1x4096xf32, #tpu.memory_space<vmem>> -> memref<4096xf32, #tpu.memory_space<vmem>>
      %dma_start3A_169 = arith.constant 8192 : i32
      %dma_start3A_170 = tpu.memref_slice %arg4[%add3A_35, %dma_start3A_169] : memref<832x16384xf32, #tpu.memory_space<hbm>> -> memref<1x4096xf32, #tpu.memory_space<hbm>>
      %dma_start3A_171 = tpu.memref_squeeze %dma_start3A_170 : memref<1x4096xf32, #tpu.memory_space<hbm>> -> memref<4096xf32, #tpu.memory_space<hbm>>
      %dma_start3A_172 = arith.constant 8192 : i32
      %dma_start3A_173 = tpu.memref_slice %arg4[%add3A_35, %dma_start3A_172] : memref<832x16384xf32, #tpu.memory_space<hbm>> -> memref<1x4096xf32, #tpu.memory_space<hbm>>
      %dma_start3A_174 = tpu.memref_squeeze %dma_start3A_173 : memref<1x4096xf32, #tpu.memory_space<hbm>> -> memref<4096xf32, #tpu.memory_space<hbm>>
      %dma_start3A_175 = arith.constant 0 : i32
      %dma_start3A_176 = tpu.memref_slice %arg7[%dma_start3A_165, %dma_start3A_175] : memref<2x4096xf32, #tpu.memory_space<vmem>> -> memref<1x4096xf32, #tpu.memory_space<vmem>>
      %dma_start3A_177 = tpu.memref_squeeze %dma_start3A_176 : memref<1x4096xf32, #tpu.memory_space<vmem>> -> memref<4096xf32, #tpu.memory_space<vmem>>
      tpu.enqueue_dma source(%dma_start3A_177 : memref<4096xf32, #tpu.memory_space<vmem>>) target(%dma_start3A_174 : memref<4096xf32, #tpu.memory_space<hbm>>) target_semaphore(%arg9 : memref<!tpu.dma_semaphore, #tpu.memory_space<semaphore_mem>>)
      %dma_wait3A_178 = arith.constant 0 : i32
      %dma_wait3A_179 = arith.constant 0 : i32
      %dma_wait3A_180 = arith.constant 0 : i32
      %dma_wait3A_181 = tpu.memref_slice %arg6[%dma_wait3A_179, %dma_wait3A_180] : memref<2x4096xi32, #tpu.memory_space<vmem>> -> memref<1x4096xi32, #tpu.memory_space<vmem>>
      %dma_wait3A_182 = tpu.memref_squeeze %dma_wait3A_181 : memref<1x4096xi32, #tpu.memory_space<vmem>> -> memref<4096xi32, #tpu.memory_space<vmem>>
      %dma_wait3A_183 = arith.constant 0 : i32
      %dma_wait3A_184 = tpu.memref_slice %arg2[%dma_wait3A_178, %dma_wait3A_183] : memref<26x16384xi32, #tpu.memory_space<hbm>> -> memref<1x4096xi32, #tpu.memory_space<hbm>>
      %dma_wait3A_185 = tpu.memref_squeeze %dma_wait3A_184 : memref<1x4096xi32, #tpu.memory_space<hbm>> -> memref<4096xi32, #tpu.memory_space<hbm>>
      %dma_wait3A_186 = arith.constant 0 : i32
      %dma_wait3A_187 = tpu.memref_slice %arg6[%dma_wait3A_179, %dma_wait3A_186] : memref<2x4096xi32, #tpu.memory_space<vmem>> -> memref<1x4096xi32, #tpu.memory_space<vmem>>
      %dma_wait3A_188 = tpu.memref_squeeze %dma_wait3A_187 : memref<1x4096xi32, #tpu.memory_space<vmem>> -> memref<4096xi32, #tpu.memory_space<vmem>>
      %dma_wait3A_189 = arith.constant 0 : i32
      %dma_wait3A_190 = tpu.memref_slice %arg2[%dma_wait3A_178, %dma_wait3A_189] : memref<26x16384xi32, #tpu.memory_space<hbm>> -> memref<1x4096xi32, #tpu.memory_space<hbm>>
      %dma_wait3A_191 = tpu.memref_squeeze %dma_wait3A_190 : memref<1x4096xi32, #tpu.memory_space<hbm>> -> memref<4096xi32, #tpu.memory_space<hbm>>
      tpu.wait_dma2 semaphore(%arg8 : memref<!tpu.dma_semaphore, #tpu.memory_space<semaphore_mem>>) src(%dma_wait3A_191 : memref<4096xi32, #tpu.memory_space<hbm>>) dst(%dma_wait3A_188 : memref<4096xi32, #tpu.memory_space<vmem>>)
      %dma_wait3A_192 = arith.constant 0 : i32
      %dma_wait3A_193 = arith.constant 0 : i32
      %dma_wait3A_194 = arith.constant 0 : i32
      %dma_wait3A_195 = tpu.memref_slice %arg7[%dma_wait3A_192, %dma_wait3A_194] : memref<2x4096xf32, #tpu.memory_space<vmem>> -> memref<1x4096xf32, #tpu.memory_space<vmem>>
      %dma_wait3A_196 = tpu.memref_squeeze %dma_wait3A_195 : memref<1x4096xf32, #tpu.memory_space<vmem>> -> memref<4096xf32, #tpu.memory_space<vmem>>
      %dma_wait3A_197 = arith.constant 0 : i32
      %dma_wait3A_198 = tpu.memref_slice %arg4[%dma_wait3A_193, %dma_wait3A_197] : memref<832x16384xf32, #tpu.memory_space<hbm>> -> memref<1x4096xf32, #tpu.memory_space<hbm>>
      %dma_wait3A_199 = tpu.memref_squeeze %dma_wait3A_198 : memref<1x4096xf32, #tpu.memory_space<hbm>> -> memref<4096xf32, #tpu.memory_space<hbm>>
      %dma_wait3A_200 = arith.constant 0 : i32
      %dma_wait3A_201 = tpu.memref_slice %arg4[%dma_wait3A_193, %dma_wait3A_200] : memref<832x16384xf32, #tpu.memory_space<hbm>> -> memref<1x4096xf32, #tpu.memory_space<hbm>>
      %dma_wait3A_202 = tpu.memref_squeeze %dma_wait3A_201 : memref<1x4096xf32, #tpu.memory_space<hbm>> -> memref<4096xf32, #tpu.memory_space<hbm>>
      %dma_wait3A_203 = arith.constant 0 : i32
      %dma_wait3A_204 = tpu.memref_slice %arg7[%dma_wait3A_192, %dma_wait3A_203] : memref<2x4096xf32, #tpu.memory_space<vmem>> -> memref<1x4096xf32, #tpu.memory_space<vmem>>
      %dma_wait3A_205 = tpu.memref_squeeze %dma_wait3A_204 : memref<1x4096xf32, #tpu.memory_space<vmem>> -> memref<4096xf32, #tpu.memory_space<vmem>>
      tpu.wait_dma2 semaphore(%arg9 : memref<!tpu.dma_semaphore, #tpu.memory_space<semaphore_mem>>) src(%dma_wait3A_205 : memref<4096xf32, #tpu.memory_space<vmem>>) dst(%dma_wait3A_202 : memref<4096xf32, #tpu.memory_space<hbm>>)
      %parallel_loop3A_206 = arith.constant 0 : i32
      %parallel_loop3A_207 = arith.constant 256 : i32
      %parallel_loop3A_208 = arith.constant 1 : i32
      scf.for %parallel_loop3A_254 = %parallel_loop3A_206 to %parallel_loop3A_207 step %parallel_loop3A_208  : i32 {
        %parallel_loop3A_255 = arith.constant 16 : i32
        %parallel_loop3A_256 = arith.muli %parallel_loop3A_254, %parallel_loop3A_255 : i32
        %parallel_loop3A_257 = arith.constant 1 : i32
        %parallel_loop3A_258 = arith.index_cast %parallel_loop3A_257 : i32 to index
        %parallel_loop3A_259 = arith.index_cast %parallel_loop3A_256 : i32 to index
        %parallel_loop3A_260 = tpu.vector_load %arg6[%parallel_loop3A_258, %parallel_loop3A_259] {strides = array<i32>} : memref<2x4096xi32, #tpu.memory_space<vmem>>, vector<16xi32>,
        %parallel_loop3A_261 = tpu.vector_load_idx %arg5[%parallel_loop3A_260] : memref<100000xf32, #tpu.memory_space<vmem>>[vector<16xi32>], vector<16xf32>,
        %parallel_loop3A_262 = arith.constant 1 : i32
        %parallel_loop3A_263 = arith.index_cast %parallel_loop3A_262 : i32 to index
        %parallel_loop3A_264 = arith.index_cast %parallel_loop3A_256 : i32 to index
        %parallel_loop3A_265 = tpu.vector_load %arg7[%parallel_loop3A_263, %parallel_loop3A_264] {strides = array<i32>} : memref<2x4096xf32, #tpu.memory_space<vmem>>, vector<16xf32>,
        tpu.vector_store %arg7[%parallel_loop3A_263, %parallel_loop3A_264], %parallel_loop3A_261 {strides = array<i32>} : memref<2x4096xf32, #tpu.memory_space<vmem>>, vector<16xf32>,
      } {sc.loop_unroll_factor = 8 : i64, sc.parallel_access}
      %dma_start3A_209 = arith.constant 1 : i32
      %dma_start3A_210 = arith.constant 0 : i32
      %dma_start3A_211 = tpu.memref_slice %arg7[%dma_start3A_209, %dma_start3A_210] : memref<2x4096xf32, #tpu.memory_space<vmem>> -> memref<1x4096xf32, #tpu.memory_space<vmem>>
      %dma_start3A_212 = tpu.memref_squeeze %dma_start3A_211 : memref<1x4096xf32, #tpu.memory_space<vmem>> -> memref<4096xf32, #tpu.memory_space<vmem>>
      %dma_start3A_213 = arith.constant 12288 : i32
      %dma_start3A_214 = tpu.memref_slice %arg4[%add3A_35, %dma_start3A_213] : memref<832x16384xf32, #tpu.memory_space<hbm>> -> memref<1x4096xf32, #tpu.memory_space<hbm>>
      %dma_start3A_215 = tpu.memref_squeeze %dma_start3A_214 : memref<1x4096xf32, #tpu.memory_space<hbm>> -> memref<4096xf32, #tpu.memory_space<hbm>>
      %dma_start3A_216 = arith.constant 12288 : i32
      %dma_start3A_217 = tpu.memref_slice %arg4[%add3A_35, %dma_start3A_216] : memref<832x16384xf32, #tpu.memory_space<hbm>> -> memref<1x4096xf32, #tpu.memory_space<hbm>>
      %dma_start3A_218 = tpu.memref_squeeze %dma_start3A_217 : memref<1x4096xf32, #tpu.memory_space<hbm>> -> memref<4096xf32, #tpu.memory_space<hbm>>
      %dma_start3A_219 = arith.constant 0 : i32
      %dma_start3A_220 = tpu.memref_slice %arg7[%dma_start3A_209, %dma_start3A_219] : memref<2x4096xf32, #tpu.memory_space<vmem>> -> memref<1x4096xf32, #tpu.memory_space<vmem>>
      %dma_start3A_221 = tpu.memref_squeeze %dma_start3A_220 : memref<1x4096xf32, #tpu.memory_space<vmem>> -> memref<4096xf32, #tpu.memory_space<vmem>>
      tpu.enqueue_dma source(%dma_start3A_221 : memref<4096xf32, #tpu.memory_space<vmem>>) target(%dma_start3A_218 : memref<4096xf32, #tpu.memory_space<hbm>>) target_semaphore(%arg9 : memref<!tpu.dma_semaphore, #tpu.memory_space<semaphore_mem>>)
      %add3A_222 = arith.constant 1 : i32
      %add3A_223 = arith.addi %scan3A_25, %add3A_222 : i32
      %lt3A = arith.constant 26 : i32
      %lt3A_224 = arith.cmpi slt, %add3A_223, %lt3A : i32
      %convert_element_type3A = arith.extui %lt3A_224 : i1 to i32
      %cond3A = arith.constant 0 : i32
      %cond3A_225 = arith.cmpi ne, %convert_element_type3A, %cond3A : i32
      scf.if %cond3A_225 {
        %add3A_254 = arith.constant 1 : i32
        %add3A_255 = arith.addi %scan3A_25, %add3A_254 : i32
        %dma_start3A_256 = arith.constant 0 : i32
        %dma_start3A_257 = arith.constant 0 : i32
        %dma_start3A_258 = tpu.memref_slice %arg6[%dma_start3A_256, %dma_start3A_257] : memref<2x4096xi32, #tpu.memory_space<vmem>> -> memref<1x4096xi32, #tpu.memory_space<vmem>>
        %dma_start3A_259 = tpu.memref_squeeze %dma_start3A_258 : memref<1x4096xi32, #tpu.memory_space<vmem>> -> memref<4096xi32, #tpu.memory_space<vmem>>
        %dma_start3A_260 = arith.constant 0 : i32
        %dma_start3A_261 = tpu.memref_slice %arg2[%add3A_255, %dma_start3A_260] : memref<26x16384xi32, #tpu.memory_space<hbm>> -> memref<1x4096xi32, #tpu.memory_space<hbm>>
        %dma_start3A_262 = tpu.memref_squeeze %dma_start3A_261 : memref<1x4096xi32, #tpu.memory_space<hbm>> -> memref<4096xi32, #tpu.memory_space<hbm>>
        %dma_start3A_263 = arith.constant 0 : i32
        %dma_start3A_264 = tpu.memref_slice %arg6[%dma_start3A_256, %dma_start3A_263] : memref<2x4096xi32, #tpu.memory_space<vmem>> -> memref<1x4096xi32, #tpu.memory_space<vmem>>
        %dma_start3A_265 = tpu.memref_squeeze %dma_start3A_264 : memref<1x4096xi32, #tpu.memory_space<vmem>> -> memref<4096xi32, #tpu.memory_space<vmem>>
        %dma_start3A_266 = arith.constant 0 : i32
        %dma_start3A_267 = tpu.memref_slice %arg2[%add3A_255, %dma_start3A_266] : memref<26x16384xi32, #tpu.memory_space<hbm>> -> memref<1x4096xi32, #tpu.memory_space<hbm>>
        %dma_start3A_268 = tpu.memref_squeeze %dma_start3A_267 : memref<1x4096xi32, #tpu.memory_space<hbm>> -> memref<4096xi32, #tpu.memory_space<hbm>>
        tpu.enqueue_dma source(%dma_start3A_268 : memref<4096xi32, #tpu.memory_space<hbm>>) target(%dma_start3A_265 : memref<4096xi32, #tpu.memory_space<vmem>>) target_semaphore(%arg8 : memref<!tpu.dma_semaphore, #tpu.memory_space<semaphore_mem>>)
        %add3A_269 = arith.constant 1 : i32
        %add3A_270 = arith.addi %scan3A_25, %add3A_269 : i32
        %dma_start3A_271 = arith.constant 0 : i32
        %dma_start3A_272 = tpu.memref_slice %arg3[%add3A_270, %add3A, %dma_start3A_271] : memref<26x32x100000xf32, #tpu.memory_space<hbm>> -> memref<1x1x100000xf32, #tpu.memory_space<hbm>>
        %dma_start3A_273 = tpu.memref_squeeze %dma_start3A_272 : memref<1x1x100000xf32, #tpu.memory_space<hbm>> -> memref<100000xf32, #tpu.memory_space<hbm>>
        %dma_start3A_274 = arith.constant 0 : i32
        %dma_start3A_275 = tpu.memref_slice %arg3[%add3A_270, %add3A, %dma_start3A_274] : memref<26x32x100000xf32, #tpu.memory_space<hbm>> -> memref<1x1x100000xf32, #tpu.memory_space<hbm>>
        %dma_start3A_276 = tpu.memref_squeeze %dma_start3A_275 : memref<1x1x100000xf32, #tpu.memory_space<hbm>> -> memref<100000xf32, #tpu.memory_space<hbm>>
        tpu.enqueue_dma source(%dma_start3A_276 : memref<100000xf32, #tpu.memory_space<hbm>>) target(%arg5 : memref<100000xf32, #tpu.memory_space<vmem>>) target_semaphore(%arg10 : memref<!tpu.dma_semaphore, #tpu.memory_space<semaphore_mem>>)
      } else {
      }
      %dma_wait3A_226 = arith.constant 0 : i32
      %dma_wait3A_227 = arith.constant 0 : i32
      "tpu.trace_start"() <{level = 10 : i32, message = "taildrain"}> : () -> ()
      %dma_wait3A_228 = arith.constant 0 : i32
      %dma_wait3A_229 = tpu.memref_slice %arg7[%dma_wait3A_226, %dma_wait3A_228] : memref<2x4096xf32, #tpu.memory_space<vmem>> -> memref<1x4096xf32, #tpu.memory_space<vmem>>
      %dma_wait3A_230 = tpu.memref_squeeze %dma_wait3A_229 : memref<1x4096xf32, #tpu.memory_space<vmem>> -> memref<4096xf32, #tpu.memory_space<vmem>>
      %dma_wait3A_231 = arith.constant 0 : i32
      %dma_wait3A_232 = tpu.memref_slice %arg4[%dma_wait3A_227, %dma_wait3A_231] : memref<832x16384xf32, #tpu.memory_space<hbm>> -> memref<1x4096xf32, #tpu.memory_space<hbm>>
      %dma_wait3A_233 = tpu.memref_squeeze %dma_wait3A_232 : memref<1x4096xf32, #tpu.memory_space<hbm>> -> memref<4096xf32, #tpu.memory_space<hbm>>
      %dma_wait3A_234 = arith.constant 0 : i32
      %dma_wait3A_235 = tpu.memref_slice %arg4[%dma_wait3A_227, %dma_wait3A_234] : memref<832x16384xf32, #tpu.memory_space<hbm>> -> memref<1x4096xf32, #tpu.memory_space<hbm>>
      %dma_wait3A_236 = tpu.memref_squeeze %dma_wait3A_235 : memref<1x4096xf32, #tpu.memory_space<hbm>> -> memref<4096xf32, #tpu.memory_space<hbm>>
      %dma_wait3A_237 = arith.constant 0 : i32
      %dma_wait3A_238 = tpu.memref_slice %arg7[%dma_wait3A_226, %dma_wait3A_237] : memref<2x4096xf32, #tpu.memory_space<vmem>> -> memref<1x4096xf32, #tpu.memory_space<vmem>>
      %dma_wait3A_239 = tpu.memref_squeeze %dma_wait3A_238 : memref<1x4096xf32, #tpu.memory_space<vmem>> -> memref<4096xf32, #tpu.memory_space<vmem>>
      tpu.wait_dma2 semaphore(%arg9 : memref<!tpu.dma_semaphore, #tpu.memory_space<semaphore_mem>>) src(%dma_wait3A_239 : memref<4096xf32, #tpu.memory_space<vmem>>) dst(%dma_wait3A_236 : memref<4096xf32, #tpu.memory_space<hbm>>)
      %dma_wait3A_240 = arith.constant 0 : i32
      %dma_wait3A_241 = arith.constant 0 : i32
      %dma_wait3A_242 = arith.constant 0 : i32
      %dma_wait3A_243 = tpu.memref_slice %arg7[%dma_wait3A_240, %dma_wait3A_242] : memref<2x4096xf32, #tpu.memory_space<vmem>> -> memref<1x4096xf32, #tpu.memory_space<vmem>>
      %dma_wait3A_244 = tpu.memref_squeeze %dma_wait3A_243 : memref<1x4096xf32, #tpu.memory_space<vmem>> -> memref<4096xf32, #tpu.memory_space<vmem>>
      %dma_wait3A_245 = arith.constant 0 : i32
      %dma_wait3A_246 = tpu.memref_slice %arg4[%dma_wait3A_241, %dma_wait3A_245] : memref<832x16384xf32, #tpu.memory_space<hbm>> -> memref<1x4096xf32, #tpu.memory_space<hbm>>
      %dma_wait3A_247 = tpu.memref_squeeze %dma_wait3A_246 : memref<1x4096xf32, #tpu.memory_space<hbm>> -> memref<4096xf32, #tpu.memory_space<hbm>>
      %dma_wait3A_248 = arith.constant 0 : i32
      %dma_wait3A_249 = tpu.memref_slice %arg4[%dma_wait3A_241, %dma_wait3A_248] : memref<832x16384xf32, #tpu.memory_space<hbm>> -> memref<1x4096xf32, #tpu.memory_space<hbm>>
      %dma_wait3A_250 = tpu.memref_squeeze %dma_wait3A_249 : memref<1x4096xf32, #tpu.memory_space<hbm>> -> memref<4096xf32, #tpu.memory_space<hbm>>
      %dma_wait3A_251 = arith.constant 0 : i32
      %dma_wait3A_252 = tpu.memref_slice %arg7[%dma_wait3A_240, %dma_wait3A_251] : memref<2x4096xf32, #tpu.memory_space<vmem>> -> memref<1x4096xf32, #tpu.memory_space<vmem>>
      %dma_wait3A_253 = tpu.memref_squeeze %dma_wait3A_252 : memref<1x4096xf32, #tpu.memory_space<vmem>> -> memref<4096xf32, #tpu.memory_space<vmem>>
      tpu.wait_dma2 semaphore(%arg9 : memref<!tpu.dma_semaphore, #tpu.memory_space<semaphore_mem>>) src(%dma_wait3A_253 : memref<4096xf32, #tpu.memory_space<vmem>>) dst(%dma_wait3A_250 : memref<4096xf32, #tpu.memory_space<hbm>>)
      "tpu.trace_stop"() : () -> ()
    }
    %scan3A_24 = arith.constant 26 : i32
    return
  }
}

module attributes {stable_mosaic.version = 14 : i64} {
  func.func @_tc_mlp_body(%arg0: i32, %arg1: memref<832x2048xf32, #tpu.memory_space<vmem>>, %arg2: memref<832x128xf32, #tpu.memory_space<vmem>>, %arg3: memref<1x128xf32, #tpu.memory_space<vmem>>, %arg4: memref<1x128xf32, #tpu.memory_space<vmem>>, %arg5: memref<1x128xf32, #tpu.memory_space<vmem>>, %arg6: memref<2048x128xf32, #tpu.memory_space<vmem>>) attributes {dimension_semantics = [#tpu.dimension_semantics<arbitrary>], iteration_bounds = array<i64: 8>, scalar_prefetch = 0 : i64, scratch_operands = 0 : i64, tpu.core_type = #tpu.core_type<tc>, window_params = [{transform_indices = @transform_0, window_bounds = array<i64: 832, 2048>}, {pipeline_mode = #tpu.pipeline_mode<synchronous>, transform_indices = @transform_1, window_bounds = array<i64: 832, 128>}, {pipeline_mode = #tpu.pipeline_mode<synchronous>, transform_indices = @transform_2, window_bounds = array<i64: 1, 128>}, {pipeline_mode = #tpu.pipeline_mode<synchronous>, transform_indices = @transform_3, window_bounds = array<i64: 1, 128>}, {pipeline_mode = #tpu.pipeline_mode<synchronous>, transform_indices = @transform_4, window_bounds = array<i64: 1, 128>}, {transform_indices = @transform_5, window_bounds = array<i64: 2048, 128>}]} {
    %get3A = arith.constant 0 : index
    %get3A_0 = arith.constant 0 : index
    %get3A_1 = vector.load %arg1[%get3A, %get3A_0] : memref<832x2048xf32, #tpu.memory_space<vmem>>, vector<832x2048xf32>
    %get3A_2 = arith.constant 0 : index
    %get3A_3 = arith.constant 0 : index
    %get3A_4 = vector.load %arg2[%get3A_2, %get3A_3] : memref<832x128xf32, #tpu.memory_space<vmem>>, vector<832x128xf32>
    %dot_general3A = arith.constant dense<0.000000e+00> : vector<2048x128xf32>
    %dot_general3A_5 = tpu.matmul %get3A_1, %get3A_4, %dot_general3A {dimension_numbers = #tpu.dot_dimension_numbers<[0], [0], [1], [1], [0, 1, 1, 1], [], []>, transpose_lhs_hint = false} : vector<832x2048xf32>, vector<832x128xf32>, vector<2048x128xf32> -> vector<2048x128xf32>
    %get3A_6 = arith.constant 0 : index
    %get3A_7 = arith.constant 0 : index
    %get3A_8 = vector.load %arg3[%get3A_6, %get3A_7] : memref<1x128xf32, #tpu.memory_space<vmem>>, vector<1x128xf32>
    %add3A = vector.broadcast %get3A_8 : vector<1x128xf32> to vector<2048x128xf32>
    %add3A_9 = arith.addf %dot_general3A_5, %add3A : vector<2048x128xf32>
    %reduce_sum3A = arith.constant dense<0.000000e+00> : vector<2048xf32>
    %reduce_sum3A_10 = vector.multi_reduction <add>, %add3A_9, %reduce_sum3A [1] : vector<2048x128xf32> to vector<2048xf32>
    %broadcast_in_dim3A = vector.shape_cast %reduce_sum3A_10 : vector<2048xf32> to vector<2048x1xf32>
    %div3A = arith.constant 1.280000e+02 : f32
    %div3A_11 = vector.broadcast %div3A : f32 to vector<2048x1xf32>
    %div3A_12 = arith.divf %broadcast_in_dim3A, %div3A_11 : vector<2048x1xf32>
    %sub3A = vector.broadcast %div3A_12 : vector<2048x1xf32> to vector<2048x128xf32>
    %sub3A_13 = arith.subf %add3A_9, %sub3A : vector<2048x128xf32>
    %sub3A_14 = vector.broadcast %div3A_12 : vector<2048x1xf32> to vector<2048x128xf32>
    %sub3A_15 = arith.subf %add3A_9, %sub3A_14 : vector<2048x128xf32>
    %mul3A = arith.mulf %sub3A_13, %sub3A_15 : vector<2048x128xf32>
    %reduce_sum3A_16 = arith.constant dense<0.000000e+00> : vector<2048xf32>
    %reduce_sum3A_17 = vector.multi_reduction <add>, %mul3A, %reduce_sum3A_16 [1] : vector<2048x128xf32> to vector<2048xf32>
    %broadcast_in_dim3A_18 = vector.shape_cast %reduce_sum3A_17 : vector<2048xf32> to vector<2048x1xf32>
    %div3A_19 = arith.constant 1.280000e+02 : f32
    %div3A_20 = vector.broadcast %div3A_19 : f32 to vector<2048x1xf32>
    %div3A_21 = arith.divf %broadcast_in_dim3A_18, %div3A_20 : vector<2048x1xf32>
    %sub3A_22 = vector.broadcast %div3A_12 : vector<2048x1xf32> to vector<2048x128xf32>
    %sub3A_23 = arith.subf %add3A_9, %sub3A_22 : vector<2048x128xf32>
    %add3A_24 = arith.constant 9.99999974E-6 : f32
    %add3A_25 = vector.broadcast %add3A_24 : f32 to vector<2048x1xf32>
    %add3A_26 = arith.addf %div3A_21, %add3A_25 : vector<2048x1xf32>
    %rsqrt3A = math.rsqrt %add3A_26 : vector<2048x1xf32>
    %mul3A_27 = vector.broadcast %rsqrt3A : vector<2048x1xf32> to vector<2048x128xf32>
    %mul3A_28 = arith.mulf %sub3A_23, %mul3A_27 : vector<2048x128xf32>
    %get3A_29 = arith.constant 0 : index
    %get3A_30 = arith.constant 0 : index
    %get3A_31 = vector.load %arg4[%get3A_29, %get3A_30] : memref<1x128xf32, #tpu.memory_space<vmem>>, vector<1x128xf32>
    %mul3A_32 = vector.broadcast %get3A_31 : vector<1x128xf32> to vector<2048x128xf32>
    %mul3A_33 = arith.mulf %mul3A_28, %mul3A_32 : vector<2048x128xf32>
    %get3A_34 = arith.constant 0 : index
    %get3A_35 = arith.constant 0 : index
    %get3A_36 = vector.load %arg5[%get3A_34, %get3A_35] : memref<1x128xf32, #tpu.memory_space<vmem>>, vector<1x128xf32>
    %add3A_37 = vector.broadcast %get3A_36 : vector<1x128xf32> to vector<2048x128xf32>
    %add3A_38 = arith.addf %mul3A_33, %add3A_37 : vector<2048x128xf32>
    %mul3A_39 = arith.constant 5.000000e-01 : f32
    %mul3A_40 = vector.broadcast %mul3A_39 : f32 to vector<2048x128xf32>
    %mul3A_41 = arith.mulf %add3A_38, %mul3A_40 : vector<2048x128xf32>
    %mul3A_42 = arith.constant 0.707106769 : f32
    %mul3A_43 = vector.broadcast %mul3A_42 : f32 to vector<2048x128xf32>
    %mul3A_44 = arith.mulf %add3A_38, %mul3A_43 : vector<2048x128xf32>
    %erf3A = math.erf %mul3A_44 : vector<2048x128xf32>
    %add3A_45 = arith.constant 1.000000e+00 : f32
    %add3A_46 = vector.broadcast %add3A_45 : f32 to vector<2048x128xf32>
    %add3A_47 = arith.addf %add3A_46, %erf3A : vector<2048x128xf32>
    %mul3A_48 = arith.mulf %mul3A_41, %add3A_47 : vector<2048x128xf32>
    %swap3A = arith.constant 0 : index
    %swap3A_49 = arith.constant 0 : index
    %swap3A_50 = vector.load %arg6[%swap3A, %swap3A_49] : memref<2048x128xf32, #tpu.memory_space<vmem>>, vector<2048x128xf32>
    tpu.vector_store %arg6[%swap3A, %swap3A_49], %mul3A_48 {strides = array<i32>} : memref<2048x128xf32, #tpu.memory_space<vmem>>, vector<2048x128xf32>,
    return
  }
  func.func @transform_0(%arg0: i32) -> (i32, i32) {
    %c0_i32 = arith.constant 0 : i32
    %c0_i32_0 = arith.constant 0 : i32
    return %c0_i32, %arg0 : i32, i32
  }
  func.func @transform_1(%arg0: i32) -> (i32, i32) {
    %c0_i32 = arith.constant 0 : i32
    %c0_i32_0 = arith.constant 0 : i32
    %c0_i32_1 = arith.constant 0 : i32
    return %c0_i32, %c0_i32_0 : i32, i32
  }
  func.func @transform_2(%arg0: i32) -> (i32, i32) {
    %c0_i32 = arith.constant 0 : i32
    %c0_i32_0 = arith.constant 0 : i32
    %c0_i32_1 = arith.constant 0 : i32
    return %c0_i32, %c0_i32_0 : i32, i32
  }
  func.func @transform_3(%arg0: i32) -> (i32, i32) {
    %c0_i32 = arith.constant 0 : i32
    %c0_i32_0 = arith.constant 0 : i32
    %c0_i32_1 = arith.constant 0 : i32
    return %c0_i32, %c0_i32_0 : i32, i32
  }
  func.func @transform_4(%arg0: i32) -> (i32, i32) {
    %c0_i32 = arith.constant 0 : i32
    %c0_i32_0 = arith.constant 0 : i32
    %c0_i32_1 = arith.constant 0 : i32
    return %c0_i32, %c0_i32_0 : i32, i32
  }
  func.func @transform_5(%arg0: i32) -> (i32, i32) {
    %c0_i32 = arith.constant 0 : i32
    %c0_i32_0 = arith.constant 0 : i32
    return %arg0, %c0_i32 : i32, i32
  }
}

</mosaic_0001>

<sc_bundles>
// kernel: kernel.4.cloned.1.call-start
scs
__scs_entry_jumppad:
0x0: {  	(pc) =	sbr.rel $0x88, $3  }
0x1: {  	(tag) =	ssettag $0x0;
	lr =	simm.s32 $0x1  }
0x2: {  	[smem:$0x3F9B] =	sst lr;
	_ =	strace $0xD0000000  }
0x3: {  	_ = 	snop  }
0x4: {  	_ = 	snop  }
0x5: {  	_ = 	snop  }
0x6: {  	_ = 	snop  }
0x7: {  	_ = 	snop  }
__scs_overlays_trampoline_lowered:
0x8: {  	[smem:$0x3FAA] =	sst s0  }
0x9: {  	[smem:$0x3FAB] =	sst s1  }
0xa: {  	[smem:$0x3FAC] =	sst s2  }
0xb: {  	[smem:$0x3FAD] =	sst s3  }
0xc: {  	[smem:$0x3FAE] =	sst s4  }
0xd: {  	[smem:$0x3FAF] =	sst s5  }
0xe: {  	[smem:$0x3FB0] =	sst s6  }
0xf: {  	[smem:$0x3FB1] =	sst s7  }
0x10: {  	[smem:$0x3FB2] =	sst s8  }
0x11: {  	[smem:$0x3FB3] =	sst s9;
	s0 =	simm.s32 @!p0 $0x0  }
0x12: {  	s1 =	sld [smem:$0x3F99];
	s0 =	simm.s32 @p0 $0x1  }
0x13: {  	[smem:$0x3FB4] =	sst s0;
	s0 =	simm.s32 @!p1 $0x0  }
0x14: {  	s2 =	sld [smem:$0x3F98];
	s0 =	simm.s32 @p1 $0x1  }
0x15: {  	[smem:$0x3FB5] =	sst s0;
	s0 =	simm.s32 @!p2 $0x0  }
0x16: {  	s3 =	sld [smem:$0x3FDB];
	s0 =	simm.s32 @p2 $0x1  }
0x17: {  	s4 =	simm.s32 $0x1BF5;
	[smem:$0x3FB7] =	sst s0  }
0x18: {  	s0 =	sld [smem:$0x3F9A];
	_ =	swait.ge [sflag:s4], $0x0  }
0x19: {  	s7 =	sld [smem:$0x3F9B]  }
0x1a: {  	s8 =	sadd.s32 $0xFFFFE003, lr  }
0x1b: {  	s9 =	sadd.s32 $0xFFFFFEF7, lr;
	s5 =	simm.s32 $0xFFFFFFFF;
	p2 =	slt.u32 s8, $0xFFFFF086  }
0x1c: {  	p1 =	slt.u32 s9, $0xF7A;
	s5 =	simm.s32 @!p2 $0x0  }
0x1d: {  	s5 =	simm.s32 @p1 $0x1;
	p0 =	seq.s32 s7, s2  }
0x1e: {  	s7 =	smul.u32 @!p0 $0xF7A, s2;
	p2 =	seq.s32 @!p0 s5, $0x0  }
0x1f: {  	s9 =	smul.u32 $0xF7A, s1;
	s8 =	simm.s32 @!p0 $0x1BF5;
	p2 =	por !p2, p0  }
0x20: {  	[sflag:s8] =	ssyncset.s32 @!p0 $0xFFFFF086;
	s6 =	sadd.s32 @!p0 s3, s7;
	s7 =	simm.s32 @!p0 $0x108  }
0x21: {  	s3 =	sadd.s32 s3, s9;
	s6 =	sadd.s32 @!p0 $0x88, s6;
	s7 =	simm.s32 @p2 $0x1082  }
0x22: {  	[simem:s7], [sflag:s8] =	dma.local @!p0 [hbm:s6], $0xF7A  }
0x23: {  	s9 =	sor.u32 $0xD0000000, s2;
	s6 =	simm.s32 $0x108;
	_ =	swait.ge @!p0 [sflag:s8], $0x0  }
0x24: {  	s3 =	sadd.s32 $0x88, s3;
	s6 =	simm.s32 @!p1 $0x1082;
	[sflag:s4] =	ssyncset.s32 $0xFFFFF086  }
0x25: {  	[simem:s6], [sflag:s4] =	dma.local [hbm:s3], $0xF7A  }
0x26: {  	[smem:$0x3F9B] =	sst s1;
	(tag) =	ssettag s2;
	_ =	strace s9  }
0x27: {  	s1 =	sld [smem:$0x3FAB]  }
0x28: {  	s2 =	sld [smem:$0x3FAC]  }
0x29: {  	s4 =	sld [smem:$0x3FAE]  }
0x2a: {  	p0 =	seq.s32 s5, $0x0;
	s5 =	sld [smem:$0x3FAF]  }
0x2b: {  	s6 =	sld [smem:$0x3FB0]  }
0x2c: {  	s7 =	sld [smem:$0x3FB1]  }
0x2d: {  	s3 =	simm.s32 $0x108;
	s8 =	sld [smem:$0x3FB2]  }
0x2e: {  	s3 =	simm.s32 @!p0 $0x1082;
	s9 =	sld [smem:$0x3FB3]  }
0x2f: {  	lr =	sadd.s32 s0, s3;
	s0 =	sld [smem:$0x3FAA]  }
0x30: {  	s3 =	sld [smem:$0x3FAD]  }
0x31: {  	[smem:$0x3FB6] =	sst s10  }
0x32: {  	s10 =	sld [smem:$0x3FB4];
	_ =	sdelay $0x3  }
0x33: {  	p0 =	seq.s32 s10, $0x1;
	s10 =	sld [smem:$0x3FB6];
	_ =	sdelay $0x3  }
0x34: {  	[smem:$0x3FB6] =	sst s10  }
0x35: {  	s10 =	sld [smem:$0x3FB5];
	_ =	sdelay $0x3  }
0x36: {  	p1 =	seq.s32 s10, $0x1;
	s10 =	sld [smem:$0x3FB6];
	_ =	sdelay $0x3  }
0x37: {  	[smem:$0x3FB6] =	sst s10  }
0x38: {  	s10 =	sld [smem:$0x3FB7]  }
0x39: {  	_ = 	snop;
	(pc) =	sbr.ind lr, $3  }
0x3a: {  	_ = 	snop  }
0x3b: {  	_ = 	snop  }
0x3c: {  	p2 =	seq.s32 s10, $0x1;
	s10 =	sld [smem:$0x3FB6]  }
0x3d: {  	_ =	shalt  }
0x3e: {  	_ =	shalt  }
0x3f: {  	_ =	shalt  }
0x40: {  	_ =	shalt  }
0x41: {  	_ =	shalt  }
0x42: {  	_ =	shalt  }
0x43: {  	_ =	shalt  }
0x44: {  	_ =	shalt  }
0x45: {  	_ =	shalt  }
0x46: {  	_ =	shalt  }
0x47: {  	_ =	shalt  }
0x48: {  	_ =	shalt  }
0x49: {  	_ =	shalt  }
0x4a: {  	_ =	shalt  }
0x4b: {  	_ =	shalt  }
0x4c: {  	_ =	shalt  }
0x4d: {  	_ =	shalt  }
0x4e: {  	_ =	shalt  }
0x4f: {  	_ =	shalt  }
0x50: {  	_ =	shalt  }
0x51: {  	_ =	shalt  }
0x52: {  	_ =	shalt  }
0x53: {  	_ =	shalt  }
0x54: {  	_ =	shalt  }
0x55: {  	_ =	shalt  }
0x56: {  	_ =	shalt  }
0x57: {  	_ =	shalt  }
0x58: {  	_ =	shalt  }
0x59: {  	_ =	shalt  }
0x5a: {  	_ =	shalt  }
0x5b: {  	_ =	shalt  }
0x5c: {  	_ =	shalt  }
0x5d: {  	_ =	shalt  }
0x5e: {  	_ =	shalt  }
0x5f: {  	_ =	shalt  }
0x60: {  	_ =	shalt  }
0x61: {  	_ =	shalt  }
0x62: {  	_ =	shalt  }
0x63: {  	_ =	shalt  }
0x64: {  	_ =	shalt  }
0x65: {  	_ =	shalt  }
0x66: {  	_ =	shalt  }
0x67: {  	_ =	shalt  }
0x68: {  	_ =	shalt  }
0x69: {  	_ =	shalt  }
0x6a: {  	_ =	shalt  }
0x6b: {  	_ =	shalt  }
0x6c: {  	_ =	shalt  }
0x6d: {  	_ =	shalt  }
0x6e: {  	_ =	shalt  }
0x6f: {  	_ =	shalt  }
0x70: {  	_ =	shalt  }
0x71: {  	_ =	shalt  }
0x72: {  	_ =	shalt  }
0x73: {  	_ =	shalt  }
0x74: {  	_ =	shalt  }
0x75: {  	_ =	shalt  }
0x76: {  	_ =	shalt  }
0x77: {  	_ =	shalt  }
0x78: {  	_ =	shalt  }
0x79: {  	_ =	shalt  }
0x7a: {  	_ =	shalt  }
0x7b: {  	_ =	shalt  }
0x7c: {  	_ =	shalt  }
0x7d: {  	_ =	shalt  }
0x7e: {  	_ =	shalt  }
0x7f: {  	_ =	shalt  }
0x80: {  	_ =	shalt  }
0x81: {  	_ =	shalt  }
0x82: {  	_ =	shalt  }
0x83: {  	_ =	shalt  }
0x84: {  	_ =	shalt  }
0x85: {  	_ =	shalt  }
0x86: {  	_ =	shalt  }
0x87: {  	_ =	shalt  }
.Lfunc_end0:
.L_simem_size_0:
called_computation_lowered:
.L_overlay_start_0:
0x88: {  	s2 =	sld [smem:$0x3FD9]  }
0x89: {  	s3 =	sld [smem:$0x3FFE];
	_ =	sdelay $0x1  }
0x8a: {  	s1 =	srdreg.scid  }
0x8b: {  	s0 =	sand.u32 $0x1, s1  }
0x8c: {  	s17 =	sshll.u32 s0, $0xA;
	s2 =	sadd.s32 s3, s2  }
0x8d: {  	s2 =	sadd.s32 s2, s17  }
0x8e: {  	[smem:$0x3FC2] =	sst s2  }
0x8f: {  	_ = 	snop  }
0x90: {  	s2 =	sld [smem:$0x3FC9]  }
0x91: {  	s18 =	sld [smem:$0x3FC8];
	(tm) =	ssettm $0x1  }
0x92: {  	s4 =	sld [smem:$0x3FFB];
	_ =	sdelay $0x3  }
0x93: {  	_ =	strace s4  }
0x94: {  	s4 =	sld [smem:$0x3FFC];
	_ =	sdelay $0x3  }
0x95: {  	_ =	strace s4  }
0x96: {  	s4 =	sld [smem:$0x3FFD];
	_ =	sdelay $0x3  }
0x97: {  	_ =	strace s4  }
0x98: {  	_ =	strace $0x8FFFFFFF  }
0x99: {  	s19 =	sld [smem:$0x3FDB];
	_ =	sdelay $0x1  }
0x9a: {  	s5 =	simm.s32 $_scs_section_size  }
0x9b: {  	s6 =	simm.s32 $_size__tile_overlayer_lowered;
	s7 =	simm.s32 $_tile_overlayer_lowered  }
0x9c: {  	s22 =	simm.s32 $0x1BFF;
	s21 =	sshll.u32 s7, $0x1;
	s4 =	sadd.s32 s5, s19  }
0x9d: {  	s8 =	simm.s32 $0x0;
	s20 =	sshll.u32 s6, $0x1;
	s6 =	sadd.s32 s21, s4  }
0x9e: {  	[timem:s8], [sflag:s22] =	dma.local [hbm:s6], s20  }
0x9f: {  	_ =	swait.ge [sflag:s22], s20  }
0xa0: {  	s5 =	ssub.s32 $0x0, s20;
	[sflag:s22] =	ssyncset.done $0x0  }
0xa1: {  	[sflag:s22] =	ssyncadd.s32 s5;
	_ =	sdelay $0x1  }
0xa2: {  	s23 =	simm.s32 $0x1B8B  }
0xa3: {  	_ =	swait.ge [sflag:s23], $0x1  }
0xa4: {  	[sflag:s23] =	ssyncset.done $0x0  }
0xa5: {  	s25 =	simm.s32 $0x1B8E;
	s24 =	sld [smem:$0x3FFE];
	[sflag:s23] =	ssyncadd.s32 $0xFFFFFFFF  }
0xa6: {  	s26 =	simm.s32 $execute0_lowered;
	[smem:$0x3FD2] =	sst s25  }
0xa7: {  	s6 =	sshll.u32 s26, $0x1;
	_ =	strace $0x80000046;
	[dreg:$0x1] =	wrdreg $0xFFFFFFFF  }
0xa8: {  	s28 =	simm.s32 $_size_execute0_lowered;
	s4 =	sadd.s32 s4, s6;
	[dreg:$0x0] =	wrdreg $0x0  }
0xa9: {  	s6 =	sshll.u32 s28, $0x1;
	[dreg:$0x2] =	wrdreg s4  }
0xaa: {  	[dreg:$0x3] =	wrdreg s6  }
0xab: {  	[dreg:$0x4] =	wrdreg $0xC0  }
0xac: {  	_ =	task [dreg:s8], $0x5FFFF  }
0xad: {  	[dreg:$0x1] =	wrdreg $0xFFFFFFFF  }
0xae: {  	[dreg:$0x0] =	wrdreg $0x60  }
0xaf: {  	[dreg:$0x2] =	wrdreg s2  }
0xb0: {  	[dreg:$0x3] =	wrdreg s18  }
0xb1: {  	[dreg:$0x4] =	wrdreg s24  }
0xb2: {  	[dreg:$0x5] =	wrdreg $0x9  }
0xb3: {  	_ =	task.clear_ibuf [dreg:s8], $0x6FFFF;
	_ =	strace $0x90000046  }
0xb4: {  	s29 =	simm.s32 $0x9;
	_ =	strace $0x8000004A  }
0xb5: {  	_ =	swait.ge [sflag:s29], $0x1  }
0xb6: {  	[sflag:s29] =	ssyncadd.s32 $0xFFFFFFFF  }
0xb7: {  	_ =	strace $0x9000004A  }
0xb8: {  	_ =	sfence  }
0xb9: {  	s30 =	sld [smem:$0x0];
	_ =	sdelay $0x2  }
0xba: {  	s31 =	sshll.u32 s1, $0xD;
	s1 =	sshrl.u32 s1, $0x2  }
0xbb: {  	s3 =	sand.u32 $0x4000, s31;
	s1 =	sadd.s32 s1, s30  }
0xbc: {  	s0 =	sor.u32 s3, s0;
	s1 =	sshll.u32 s1, $0x11  }
0xbd: {  	s0 =	sor.u32 s1, s0  }
0xbe: {  	s0 =	sadd.s32 $0x8F2B, s0  }
0xbf: {  	[sflag:s0] =	ssyncadd.remote.s32 $0x1  }
0xc0: {  	_ =	sfence.sel $0xFFFF  }
0xc1: {  	[dreg:$0x0] =	wrdreg $0xFFFFFFFF;
	(pc) =	sbr.abs _section_cstart, $3  }
0xc2: {  	[dreg:$0x1] =	wrdreg $0xFFFFFFFF  }
0xc3: {  	_ =	task.clear_ibuf [dreg:s8], $0x2FFFF;
	_ =	strace $0x9FFFFFFF  }
0xc4: {  	(tm) =	ssettm $0x7FFFFFFF  }
0xc5: {  	_ =	shalt  }
tec
execute0_lowered:
.L_overlay_start_1:
0x0: {  	(tag) =	ssettag $0x1  }
0x1: {  	s1 =	rddreg [dreg:$0x0]  }
0x2: {  	s2 =	rddreg [dreg:$0x1]  }
0x3: {  	s15 =	rddreg [dreg:$0x2]  }
0x4: {  	s0 =	rddreg [dreg:$0x3];
	s4 =	simm.s32 $0x0;
	s5 =	srdreg.scid  }
0x5: {  	s3 =	stileid.u32;
	s17 =	simm.s32 $0x80;
	s18 =	simm.s32 $0x400  }
0x6: {  	s19 =	simm.s32 $0x3;
	s20 =	simm.s32 $0x1;
	s21 =	simm.s32 $0x2  }
0x7: {  	s22 =	simm.s32 $0x0;
	[smem:$0x7FF] =	sst s4;
	s5 =	sand.u32 $0x1, s5  }
0x8: {  	s6 =	sshrl.u32 s3, $0x2;
	s7 =	sshll.u32 s3, $0x8;
	s31 =	sshll.u32 s3, $0xF  }
0x9: {  	s11 =	sadd.s32 $0x2000, s1;
	s12 =	sadd.s32 $0x1C00, s15;
	s13 =	sadd.s32 $0x3000, s1  }
0xa: {  	s14 =	sadd.s32 $0x2C00, s15;
	s8 =	smul.u32 $0xC3800, s6;
	s30 =	sshll.u32 s5, $0x7  }
.Ltmp0:
0xb: {  	s7 =	sand.u32 $0x300, s7;
	_ =	strace $0x80000047;
	(pc) =	sbr.rel .LBB2_1-.Ltmp0, $4  }
0xc: {  	s9 =	ssub.s32 $0x2, s5;
	s6 =	sadd.s32 $0xC00, s15;
	s5 =	sor.u32 s30, s7  }
0xd: {  	s15 =	sadd.s32 $0x3C00, s15;
	s10 =	sshrl.u32 s9, $0x1;
	s7 =	sor.u32 s8, s5  }
0xe: {  	s16 =	ssub.s32 s9, s10;
	s9 =	sadd.s32 $0x1000, s1;
	s8 =	sshrl.u32 s7, $0x3  }
0xf: {  	s10 =	sand.u32 $0x60000, s31;
	s16 =	smax.u32 s16, $0x1;
	s8 =	sadd.s32 s2, s8  }
.LBB2_31:
0x10: {  	s22 =	sadd.s32 $0x1, s22  }
0x11: {  	p0 =	sne.s32 s22, s16  }
.Ltmp1:
0x12: {  	_ = 	snop;
	(pc) =	sbr.rel @!p0 .LBB2_32-.Ltmp1, $1  }
0x13: {  	_ =	sdelay $0x3  }
.LBB2_1:
0x14: {  	s23 =	simm.s32 $0x18700  }
0x15: {  	s24 =	simm.s32 $0x80;
	s26 =	sadd.s32 $0x0, s1;
	s25 =	simm.s32 $0x18800  }
.LBB2_2:
0x16: {  	[tilespmem:s23], [sflag:$0x1] =	stream.linear.gather [hbm4b:s26+s4], $0x80, $0x38;
	[tilespmem:$0x1C700] =	vst v63  }
0x17: {  	s26 =	smov.u32 s24;
	s23 =	smov.u32 s25;
	p0 =	sne.s32 s24, $0xF80  }
.Ltmp2:
0x18: {  	s24 =	sadd.s32 $0x80, s24;
	(pc) =	sbr.rel @p0 .LBB2_2-.Ltmp2, $2  }
0x19: {  	_ =	sdelay $0x2  }
0x1a: {  	s25 =	sadd.s32 $0x100, s25;
	s26 =	sadd.s32 s26, s1  }
.Ltmp3:
0x1b: {  	(pc) =	sbr.rel .LBB2_4-.Ltmp3, $4  }
0x1c: {  	_ = 	snop  }
0x1d: {  	[tilespmem:s23], [sflag:$0x1] =	stream.linear.gather [hbm4b:s26+s4], $0x80, $0x38;
	[tilespmem:$0x1C700] =	vst v63  }
0x1e: {  	s23 =	simm.s32 $0x0  }
0x1f: {  	[tilespmem:s23], [sflag:$0x3] =	stream.strided.gather [hbm4b:s8+s17], $0x18700, s18, s17, $0x38;
	[tilespmem:$0x1C700] =	vst v63  }
.LBB2_30:
0x20: {  	_ =	strace $0x80000049  }
0x21: {  	_ =	swait.ge [sflag:s21], $0x1000  }
0x22: {  	p0 =	sne.s32 s23, $0x1A;
	[sflag:s21] =	ssyncset.done $0x0  }
.Ltmp4:
0x23: {  	[sflag:s21] =	ssyncadd.s32 $0xFFFFF000;
	(pc) =	sbr.rel @!p0 .LBB2_31-.Ltmp4, $4  }
0x24: {  	_ =	swait.ge [sflag:s21], $0x1000  }
0x25: {  	[sflag:s21] =	ssyncset.done $0x0  }
0x26: {  	[sflag:s21] =	ssyncadd.s32 $0xFFFFF000  }
0x27: {  	_ =	strace $0x90000049  }
.LBB2_4:
0x28: {  	_ =	strace $0x80000048  }
0x29: {  	_ =	swait.ge [sflag:s19], $0x18700  }
0x2a: {  	[sflag:s19] =	ssyncset.done $0x0  }
0x2b: {  	[sflag:s19] =	ssyncadd.s32 $0xFFFE7900  }
0x2c: {  	s24 =	sshll.u32 s23, $0xB;
	s25 =	sshll.u32 s23, $0x4;
	_ =	strace $0x90000048  }
0x2d: {  	s24 =	sand.u32 $0xC000, s24;
	s25 =	sand.u32 $0x70, s25;
	_ =	swait.ge [sflag:s20], $0x1000  }
0x2e: {  	s26 =	simm.s32 $0x18780;
	s25 =	sor.u32 s25, s24;
	[sflag:s20] =	ssyncset.done $0x0  }
0x2f: {  	s28 =	simm.s32 $0x0;
	s24 =	sadd.s32 s25, s9;
	[sflag:s20] =	ssyncadd.s32 $0xFFFFF000  }
.LBB2_5:
0x30: {  	p0 =	sne.s32 s28, $0xF80  }
.Ltmp5:
0x31: {  	_ = 	snop;
	(pc) =	sbr.rel @p0 .LBB2_5-.Ltmp5, $4  }
0x32: {  	_ = 	snop  }
0x33: {  	s29 =	sadd.s32 s28, s24  }
0x34: {  	[tilespmem:s26], [sflag:$0x1] =	stream.linear.gather [hbm4b:s29+s4], $0x80, $0x38;
	[tilespmem:$0x1C700] =	vst v63  }
0x35: {  	s28 =	sadd.s32 $0x80, s28;
	s26 =	sadd.s32 $0x100, s26  }
0x36: {  	s24 =	simm.s32 $0x18740  }
0x37: {  	v0 =	vld [tilespmem:s24+$0x30]  }
0x38: {  	v1 =	vld [tilespmem:s24+$0xFFFFFFD0]  }
0x39: {  	v2 =	vld [tilespmem:s24+$0xFFFFFFE0]  }
0x3a: {  	v3 =	vld [tilespmem:s24+$0xFFFFFFF0]  }
0x3b: {  	v6 =	vld [tilespmem:s24+$0x0]  }
0x3c: {  	v7 =	vld [tilespmem:s24+$0x10]  }
0x3d: {  	v8 =	vld [tilespmem:s24+$0x20]  }
0x3e: {  	v9 =	vld [tilespmem:s24+$0xFFFFFFC0]  }
0x3f: {  	v10 =	vld.idx.msk [tilespmem:v0+s4+$0x0], $0xffff  }
0x40: {  	v11 =	vld.idx.msk [tilespmem:v1+s4+$0x0], $0xffff  }
0x41: {  	v5 =	vld.idx.msk [tilespmem:v2+s4+$0x0], $0xffff  }
0x42: {  	v4 =	vld.idx.msk [tilespmem:v3+s4+$0x0], $0xffff  }
0x43: {  	v3 =	vld.idx.msk [tilespmem:v6+s4+$0x0], $0xffff  }
0x44: {  	s26 =	simm.s32 $0x1A740;
	v2 =	vld.idx.msk [tilespmem:v7+s4+$0x0], $0xffff  }
0x45: {  	v0 =	vld.idx.msk [tilespmem:v8+s4+$0x0], $0xffff;
	[tilespmem:s26+$0x30] =	vst v10  }
0x46: {  	s28 =	simm.s32 $0x18840;
	s24 =	simm.s32 $0x0;
	v1 =	vld.idx.msk [tilespmem:v9+s4+$0x0], $0xffff;
	[tilespmem:s26+$0xFFFFFFD0] =	vst v11  }
.LBB2_7:
0x47: {  	v6 =	vld [tilespmem:s28+$0x30];
	s24 =	sadd.s32 $0x8, s24;
	[tilespmem:s26+$0xFFFFFFE0] =	vst v5  }
0x48: {  	v5 =	vld [tilespmem:s28+$0xFFFFFFD0];
	p0 =	slt.u32 s24, $0xF8;
	[tilespmem:s26+$0xFFFFFFF0] =	vst v4  }
0x49: {  	v4 =	vld [tilespmem:s28+$0xFFFFFFE0];
	[tilespmem:s26+$0x0] =	vst v3  }
0x4a: {  	v3 =	vld [tilespmem:s28+$0xFFFFFFF0];
	[tilespmem:s26+$0x10] =	vst v2  }
0x4b: {  	v2 =	vld [tilespmem:s28+$0x0];
	[tilespmem:s26+$0x20] =	vst v0  }
0x4c: {  	v0 =	vld [tilespmem:s28+$0x10];
	[tilespmem:s26+$0xFFFFFFC0] =	vst v1  }
0x4d: {  	v1 =	vld [tilespmem:s28+$0x20]  }
0x4e: {  	v7 =	vld [tilespmem:s28+$0xFFFFFFC0]  }
0x4f: {  	v6 =	vld.idx.msk [tilespmem:v6+s4+$0x0], $0xffff  }
0x50: {  	v8 =	vld.idx.msk [tilespmem:v5+s4+$0x0], $0xffff  }
0x51: {  	v5 =	vld.idx.msk [tilespmem:v4+s4+$0x0], $0xffff  }
.Ltmp6:
0x52: {  	v4 =	vld.idx.msk [tilespmem:v3+s4+$0x0], $0xffff;
	(pc) =	sbr.rel @p0 .LBB2_7-.Ltmp6, $4  }
0x53: {  	v3 =	vld.idx.msk [tilespmem:v2+s4+$0x0], $0xffff  }
0x54: {  	s26 =	sadd.s32 $0x100, s26;
	v2 =	vld.idx.msk [tilespmem:v0+s4+$0x0], $0xffff  }
0x55: {  	v0 =	vld.idx.msk [tilespmem:v1+s4+$0x0], $0xffff;
	[tilespmem:s26+$0x30] =	vst v6  }
0x56: {  	s28 =	sadd.s32 $0x100, s28;
	v1 =	vld.idx.msk [tilespmem:v7+s4+$0x0], $0xffff;
	[tilespmem:s26+$0xFFFFFFD0] =	vst v8  }
0x57: {  	[tilespmem:s26+$0xFFFFFFE0] =	vst v5;
	s24 =	sshll.u32 s23, $0x13  }
0x58: {  	[tilespmem:s26+$0xFFFFFFF0] =	vst v4;
	s24 =	sor.u32 s24, s10  }
0x59: {  	[tilespmem:s26+$0x0] =	vst v3;
	s24 =	sor.u32 s5, s24  }
0x5a: {  	[tilespmem:s26+$0x10] =	vst v2;
	s24 =	sshrl.u32 s24, $0x3  }
0x5b: {  	s29 =	simm.s32 $0x1A700;
	[tilespmem:s26+$0x20] =	vst v0;
	s28 =	sadd.s32 s6, s24  }
0x5c: {  	s30 =	simm.s32 $0x1A800;
	[tilespmem:s26+$0xFFFFFFC0] =	vst v1;
	s26 =	simm.s32 $0x80;
	s31 =	sadd.s32 $0x0, s28  }
.LBB2_9:
0x5d: {  	[hbm4b:s31+s4] =	stream.linear.scatter [tilespmem:s29], [sflag:$0x2], $0x80, $0x38;
	[tilespmem:$0x1C700] =	vst v63  }
0x5e: {  	s31 =	smov.u32 s26;
	s29 =	smov.u32 s30;
	p0 =	sne.s32 s26, $0xF80  }
.Ltmp7:
0x5f: {  	s26 =	sadd.s32 $0x80, s26;
	(pc) =	sbr.rel @p0 .LBB2_9-.Ltmp7, $2  }
0x60: {  	_ =	sdelay $0x2  }
0x61: {  	s30 =	sadd.s32 $0x100, s30;
	s31 =	sadd.s32 s31, s28  }
0x62: {  	[hbm4b:s31+s4] =	stream.linear.scatter [tilespmem:s29], [sflag:$0x2], $0x80, $0x38;
	[tilespmem:$0x1C700] =	vst v63  }
0x63: {  	_ =	swait.ge [sflag:s20], $0x1000  }
0x64: {  	s26 =	sadd.s32 s25, s11;
	[sflag:s20] =	ssyncset.done $0x0  }
0x65: {  	s28 =	simm.s32 $0x0;
	s29 =	simm.s32 $0x18700;
	[sflag:s20] =	ssyncadd.s32 $0xFFFFF000  }
.LBB2_11:
0x66: {  	p0 =	sne.s32 s28, $0xF80  }
.Ltmp8:
0x67: {  	_ = 	snop;
	(pc) =	sbr.rel @p0 .LBB2_11-.Ltmp8, $4  }
0x68: {  	_ = 	snop  }
0x69: {  	s30 =	sadd.s32 s28, s26  }
0x6a: {  	[tilespmem:s29], [sflag:$0x1] =	stream.linear.gather [hbm4b:s30+s4], $0x80, $0x38;
	[tilespmem:$0x1C700] =	vst v63  }
0x6b: {  	s28 =	sadd.s32 $0x80, s28;
	s29 =	sadd.s32 $0x100, s29  }
0x6c: {  	s26 =	simm.s32 $0x187F0  }
0x6d: {  	v0 =	vld [tilespmem:s26+$0x0]  }
0x6e: {  	v1 =	vld [tilespmem:s26+$0xFFFFFFA0]  }
0x6f: {  	v2 =	vld [tilespmem:s26+$0xFFFFFFB0]  }
0x70: {  	v3 =	vld [tilespmem:s26+$0xFFFFFFC0]  }
0x71: {  	v6 =	vld [tilespmem:s26+$0xFFFFFFD0]  }
0x72: {  	v7 =	vld [tilespmem:s26+$0xFFFFFFE0]  }
0x73: {  	v8 =	vld [tilespmem:s26+$0xFFFFFFF0]  }
0x74: {  	v9 =	vld [tilespmem:s26+$0xFFFFFF90]  }
0x75: {  	v10 =	vld.idx.msk [tilespmem:v0+s4+$0x0], $0xffff  }
0x76: {  	v11 =	vld.idx.msk [tilespmem:v1+s4+$0x0], $0xffff  }
0x77: {  	v5 =	vld.idx.msk [tilespmem:v2+s4+$0x0], $0xffff  }
0x78: {  	v4 =	vld.idx.msk [tilespmem:v3+s4+$0x0], $0xffff  }
0x79: {  	v0 =	vld.idx.msk [tilespmem:v6+s4+$0x0], $0xffff  }
0x7a: {  	s26 =	simm.s32 $0x1A7F0;
	v1 =	vld.idx.msk [tilespmem:v7+s4+$0x0], $0xffff  }
0x7b: {  	v2 =	vld.idx.msk [tilespmem:v8+s4+$0x0], $0xffff;
	[tilespmem:s26+$0x0] =	vst v10  }
0x7c: {  	s28 =	simm.s32 $0x0;
	s29 =	simm.s32 $0x188F0;
	v3 =	vld.idx.msk [tilespmem:v9+s4+$0x0], $0xffff;
	[tilespmem:s26+$0xFFFFFFA0] =	vst v11  }
.LBB2_13:
0x7d: {  	v6 =	vld [tilespmem:s29+$0x0];
	s28 =	sadd.s32 $0x8, s28;
	[tilespmem:s26+$0xFFFFFFB0] =	vst v5  }
0x7e: {  	v5 =	vld [tilespmem:s29+$0xFFFFFFA0];
	p0 =	slt.u32 s28, $0xF8;
	[tilespmem:s26+$0xFFFFFFC0] =	vst v4  }
0x7f: {  	v4 =	vld [tilespmem:s29+$0xFFFFFFB0];
	[tilespmem:s26+$0xFFFFFFD0] =	vst v0  }
0x80: {  	v0 =	vld [tilespmem:s29+$0xFFFFFFC0];
	[tilespmem:s26+$0xFFFFFFE0] =	vst v1  }
0x81: {  	v1 =	vld [tilespmem:s29+$0xFFFFFFD0];
	[tilespmem:s26+$0xFFFFFFF0] =	vst v2  }
0x82: {  	v2 =	vld [tilespmem:s29+$0xFFFFFFE0];
	[tilespmem:s26+$0xFFFFFF90] =	vst v3  }
0x83: {  	v3 =	vld [tilespmem:s29+$0xFFFFFFF0]  }
0x84: {  	v7 =	vld [tilespmem:s29+$0xFFFFFF90]  }
0x85: {  	v6 =	vld.idx.msk [tilespmem:v6+s4+$0x0], $0xffff  }
0x86: {  	v8 =	vld.idx.msk [tilespmem:v5+s4+$0x0], $0xffff  }
0x87: {  	v5 =	vld.idx.msk [tilespmem:v4+s4+$0x0], $0xffff  }
.Ltmp9:
0x88: {  	v4 =	vld.idx.msk [tilespmem:v0+s4+$0x0], $0xffff;
	(pc) =	sbr.rel @p0 .LBB2_13-.Ltmp9, $4  }
0x89: {  	v0 =	vld.idx.msk [tilespmem:v1+s4+$0x0], $0xffff  }
0x8a: {  	s26 =	sadd.s32 $0x100, s26;
	v1 =	vld.idx.msk [tilespmem:v2+s4+$0x0], $0xffff  }
0x8b: {  	v2 =	vld.idx.msk [tilespmem:v3+s4+$0x0], $0xffff;
	[tilespmem:s26+$0x0] =	vst v6  }
0x8c: {  	s29 =	sadd.s32 $0x100, s29;
	v3 =	vld.idx.msk [tilespmem:v7+s4+$0x0], $0xffff;
	[tilespmem:s26+$0xFFFFFFA0] =	vst v8  }
0x8d: {  	[tilespmem:s26+$0xFFFFFFB0] =	vst v5  }
0x8e: {  	[tilespmem:s26+$0xFFFFFFC0] =	vst v4  }
0x8f: {  	[tilespmem:s26+$0xFFFFFFD0] =	vst v0  }
0x90: {  	[tilespmem:s26+$0xFFFFFFE0] =	vst v1  }
0x91: {  	s28 =	sadd.s32 s24, s12;
	s29 =	simm.s32 $0x1A780;
	[tilespmem:s26+$0xFFFFFFF0] =	vst v2  }
0x92: {  	s30 =	simm.s32 $0x1A880;
	s31 =	sadd.s32 $0x0, s28;
	[tilespmem:s26+$0xFFFFFF90] =	vst v3;
	s26 =	simm.s32 $0x80  }
.LBB2_15:
0x93: {  	[hbm4b:s31+s4] =	stream.linear.scatter [tilespmem:s29], [sflag:$0x2], $0x80, $0x38;
	[tilespmem:$0x1C700] =	vst v63  }
0x94: {  	s31 =	smov.u32 s26;
	s29 =	smov.u32 s30;
	p0 =	sne.s32 s26, $0xF80  }
.Ltmp10:
0x95: {  	s26 =	sadd.s32 $0x80, s26;
	(pc) =	sbr.rel @p0 .LBB2_15-.Ltmp10, $2  }
0x96: {  	_ =	sdelay $0x2  }
0x97: {  	s30 =	sadd.s32 $0x100, s30;
	s31 =	sadd.s32 s31, s28  }
0x98: {  	[hbm4b:s31+s4] =	stream.linear.scatter [tilespmem:s29], [sflag:$0x2], $0x80, $0x38;
	[tilespmem:$0x1C700] =	vst v63  }
0x99: {  	s25 =	sadd.s32 s25, s13;
	_ =	swait.ge [sflag:s20], $0x1000  }
0x9a: {  	s26 =	simm.s32 $0x18780;
	s28 =	simm.s32 $0x80;
	[sflag:s20] =	ssyncset.done $0x0  }
0x9b: {  	s29 =	simm.s32 $0x18880;
	s30 =	sadd.s32 $0x0, s25;
	[sflag:s20] =	ssyncadd.s32 $0xFFFFF000  }
.LBB2_17:
0x9c: {  	[tilespmem:s26], [sflag:$0x1] =	stream.linear.gather [hbm4b:s30+s4], $0x80, $0x38;
	[tilespmem:$0x1C700] =	vst v63  }
0x9d: {  	s30 =	smov.u32 s28;
	s26 =	smov.u32 s29;
	p0 =	sne.s32 s28, $0xF80  }
.Ltmp11:
0x9e: {  	s28 =	sadd.s32 $0x80, s28;
	(pc) =	sbr.rel @p0 .LBB2_17-.Ltmp11, $2  }
0x9f: {  	_ =	sdelay $0x2  }
0xa0: {  	s29 =	sadd.s32 $0x100, s29;
	s30 =	sadd.s32 s30, s25  }
0xa1: {  	[tilespmem:s26], [sflag:$0x1] =	stream.linear.gather [hbm4b:s30+s4], $0x80, $0x38;
	[tilespmem:$0x1C700] =	vst v63  }
0xa2: {  	_ =	swait.ge [sflag:s21], $0x1000  }
0xa3: {  	[sflag:s21] =	ssyncset.done $0x0  }
0xa4: {  	s25 =	simm.s32 $0x18740;
	[sflag:s21] =	ssyncadd.s32 $0xFFFFF000  }
0xa5: {  	v0 =	vld [tilespmem:s25+$0x30]  }
0xa6: {  	v1 =	vld [tilespmem:s25+$0xFFFFFFD0]  }
0xa7: {  	v2 =	vld [tilespmem:s25+$0xFFFFFFE0]  }
0xa8: {  	v3 =	vld [tilespmem:s25+$0xFFFFFFF0]  }
0xa9: {  	v6 =	vld [tilespmem:s25+$0x0]  }
0xaa: {  	v7 =	vld [tilespmem:s25+$0x10]  }
0xab: {  	v8 =	vld [tilespmem:s25+$0x20]  }
0xac: {  	v9 =	vld [tilespmem:s25+$0xFFFFFFC0]  }
0xad: {  	v10 =	vld.idx.msk [tilespmem:v0+s4+$0x0], $0xffff  }
0xae: {  	v11 =	vld.idx.msk [tilespmem:v1+s4+$0x0], $0xffff  }
0xaf: {  	v5 =	vld.idx.msk [tilespmem:v2+s4+$0x0], $0xffff  }
0xb0: {  	v4 =	vld.idx.msk [tilespmem:v3+s4+$0x0], $0xffff  }
0xb1: {  	v0 =	vld.idx.msk [tilespmem:v6+s4+$0x0], $0xffff  }
0xb2: {  	s25 =	simm.s32 $0x1A740;
	v1 =	vld.idx.msk [tilespmem:v7+s4+$0x0], $0xffff  }
0xb3: {  	v2 =	vld.idx.msk [tilespmem:v8+s4+$0x0], $0xffff;
	[tilespmem:s25+$0x30] =	vst v10  }
0xb4: {  	s26 =	simm.s32 $0x0;
	s28 =	simm.s32 $0x18840;
	v3 =	vld.idx.msk [tilespmem:v9+s4+$0x0], $0xffff;
	[tilespmem:s25+$0xFFFFFFD0] =	vst v11  }
.LBB2_19:
0xb5: {  	v6 =	vld [tilespmem:s28+$0x30];
	s26 =	sadd.s32 $0x8, s26;
	[tilespmem:s25+$0xFFFFFFE0] =	vst v5  }
0xb6: {  	v5 =	vld [tilespmem:s28+$0xFFFFFFD0];
	p0 =	slt.u32 s26, $0xF8;
	[tilespmem:s25+$0xFFFFFFF0] =	vst v4  }
0xb7: {  	v4 =	vld [tilespmem:s28+$0xFFFFFFE0];
	[tilespmem:s25+$0x0] =	vst v0  }
0xb8: {  	v0 =	vld [tilespmem:s28+$0xFFFFFFF0];
	[tilespmem:s25+$0x10] =	vst v1  }
0xb9: {  	v1 =	vld [tilespmem:s28+$0x0];
	[tilespmem:s25+$0x20] =	vst v2  }
0xba: {  	v2 =	vld [tilespmem:s28+$0x10];
	[tilespmem:s25+$0xFFFFFFC0] =	vst v3  }
0xbb: {  	v3 =	vld [tilespmem:s28+$0x20]  }
0xbc: {  	v7 =	vld [tilespmem:s28+$0xFFFFFFC0]  }
0xbd: {  	v6 =	vld.idx.msk [tilespmem:v6+s4+$0x0], $0xffff  }
0xbe: {  	v8 =	vld.idx.msk [tilespmem:v5+s4+$0x0], $0xffff  }
0xbf: {  	v5 =	vld.idx.msk [tilespmem:v4+s4+$0x0], $0xffff  }
.Ltmp12:
0xc0: {  	v4 =	vld.idx.msk [tilespmem:v0+s4+$0x0], $0xffff;
	(pc) =	sbr.rel @p0 .LBB2_19-.Ltmp12, $4  }
0xc1: {  	v0 =	vld.idx.msk [tilespmem:v1+s4+$0x0], $0xffff  }
0xc2: {  	s25 =	sadd.s32 $0x100, s25;
	v1 =	vld.idx.msk [tilespmem:v2+s4+$0x0], $0xffff  }
0xc3: {  	v2 =	vld.idx.msk [tilespmem:v3+s4+$0x0], $0xffff;
	[tilespmem:s25+$0x30] =	vst v6  }
0xc4: {  	s28 =	sadd.s32 $0x100, s28;
	v3 =	vld.idx.msk [tilespmem:v7+s4+$0x0], $0xffff;
	[tilespmem:s25+$0xFFFFFFD0] =	vst v8  }
0xc5: {  	[tilespmem:s25+$0xFFFFFFE0] =	vst v5  }
0xc6: {  	[tilespmem:s25+$0xFFFFFFF0] =	vst v4  }
0xc7: {  	[tilespmem:s25+$0x0] =	vst v0  }
0xc8: {  	[tilespmem:s25+$0x10] =	vst v1  }
0xc9: {  	s26 =	sadd.s32 s24, s14;
	s28 =	simm.s32 $0x1A700;
	[tilespmem:s25+$0x20] =	vst v2  }
0xca: {  	s29 =	simm.s32 $0x1A800;
	s30 =	sadd.s32 $0x0, s26;
	[tilespmem:s25+$0xFFFFFFC0] =	vst v3;
	s25 =	simm.s32 $0x80  }
.LBB2_21:
0xcb: {  	[hbm4b:s30+s4] =	stream.linear.scatter [tilespmem:s28], [sflag:$0x2], $0x80, $0x38;
	[tilespmem:$0x1C700] =	vst v63  }
0xcc: {  	s30 =	smov.u32 s25;
	s28 =	smov.u32 s29;
	p0 =	sne.s32 s25, $0xF80  }
.Ltmp13:
0xcd: {  	s25 =	sadd.s32 $0x80, s25;
	(pc) =	sbr.rel @p0 .LBB2_21-.Ltmp13, $2  }
0xce: {  	_ =	sdelay $0x2  }
0xcf: {  	s29 =	sadd.s32 $0x100, s29;
	s30 =	sadd.s32 s30, s26  }
0xd0: {  	[hbm4b:s30+s4] =	stream.linear.scatter [tilespmem:s28], [sflag:$0x2], $0x80, $0x38;
	[tilespmem:$0x1C700] =	vst v63  }
0xd1: {  	_ =	swait.ge [sflag:s20], $0x1000  }
0xd2: {  	[sflag:s20] =	ssyncset.done $0x0  }
0xd3: {  	[sflag:s20] =	ssyncadd.s32 $0xFFFFF000  }
0xd4: {  	_ =	swait.ge [sflag:s21], $0x1000  }
0xd5: {  	[sflag:s21] =	ssyncset.done $0x0  }
0xd6: {  	s25 =	simm.s32 $0x187F0;
	[sflag:s21] =	ssyncadd.s32 $0xFFFFF000  }
0xd7: {  	v0 =	vld [tilespmem:s25+$0x0]  }
0xd8: {  	v1 =	vld [tilespmem:s25+$0xFFFFFFA0]  }
0xd9: {  	v2 =	vld [tilespmem:s25+$0xFFFFFFB0]  }
0xda: {  	v3 =	vld [tilespmem:s25+$0xFFFFFFC0]  }
0xdb: {  	v6 =	vld [tilespmem:s25+$0xFFFFFFD0]  }
0xdc: {  	v7 =	vld [tilespmem:s25+$0xFFFFFFE0]  }
0xdd: {  	v8 =	vld [tilespmem:s25+$0xFFFFFFF0]  }
0xde: {  	v9 =	vld [tilespmem:s25+$0xFFFFFF90]  }
0xdf: {  	v10 =	vld.idx.msk [tilespmem:v0+s4+$0x0], $0xffff  }
0xe0: {  	v11 =	vld.idx.msk [tilespmem:v1+s4+$0x0], $0xffff  }
0xe1: {  	v5 =	vld.idx.msk [tilespmem:v2+s4+$0x0], $0xffff  }
0xe2: {  	v4 =	vld.idx.msk [tilespmem:v3+s4+$0x0], $0xffff  }
0xe3: {  	v0 =	vld.idx.msk [tilespmem:v6+s4+$0x0], $0xffff  }
0xe4: {  	s25 =	simm.s32 $0x1A7F0;
	v1 =	vld.idx.msk [tilespmem:v7+s4+$0x0], $0xffff  }
0xe5: {  	v2 =	vld.idx.msk [tilespmem:v8+s4+$0x0], $0xffff;
	[tilespmem:s25+$0x0] =	vst v10  }
0xe6: {  	s26 =	simm.s32 $0x0;
	s28 =	simm.s32 $0x188F0;
	v3 =	vld.idx.msk [tilespmem:v9+s4+$0x0], $0xffff;
	[tilespmem:s25+$0xFFFFFFA0] =	vst v11  }
.LBB2_23:
0xe7: {  	v6 =	vld [tilespmem:s28+$0x0];
	s26 =	sadd.s32 $0x8, s26;
	[tilespmem:s25+$0xFFFFFFB0] =	vst v5  }
0xe8: {  	v5 =	vld [tilespmem:s28+$0xFFFFFFA0];
	p0 =	slt.u32 s26, $0xF8;
	[tilespmem:s25+$0xFFFFFFC0] =	vst v4  }
0xe9: {  	v4 =	vld [tilespmem:s28+$0xFFFFFFB0];
	[tilespmem:s25+$0xFFFFFFD0] =	vst v0  }
0xea: {  	v0 =	vld [tilespmem:s28+$0xFFFFFFC0];
	[tilespmem:s25+$0xFFFFFFE0] =	vst v1  }
0xeb: {  	v1 =	vld [tilespmem:s28+$0xFFFFFFD0];
	[tilespmem:s25+$0xFFFFFFF0] =	vst v2  }
0xec: {  	v2 =	vld [tilespmem:s28+$0xFFFFFFE0];
	[tilespmem:s25+$0xFFFFFF90] =	vst v3  }
0xed: {  	v3 =	vld [tilespmem:s28+$0xFFFFFFF0]  }
0xee: {  	v7 =	vld [tilespmem:s28+$0xFFFFFF90]  }
0xef: {  	v6 =	vld.idx.msk [tilespmem:v6+s4+$0x0], $0xffff  }
0xf0: {  	v8 =	vld.idx.msk [tilespmem:v5+s4+$0x0], $0xffff  }
0xf1: {  	v5 =	vld.idx.msk [tilespmem:v4+s4+$0x0], $0xffff  }
.Ltmp14:
0xf2: {  	v4 =	vld.idx.msk [tilespmem:v0+s4+$0x0], $0xffff;
	(pc) =	sbr.rel @p0 .LBB2_23-.Ltmp14, $4  }
0xf3: {  	v0 =	vld.idx.msk [tilespmem:v1+s4+$0x0], $0xffff  }
0xf4: {  	s25 =	sadd.s32 $0x100, s25;
	v1 =	vld.idx.msk [tilespmem:v2+s4+$0x0], $0xffff  }
0xf5: {  	v2 =	vld.idx.msk [tilespmem:v3+s4+$0x0], $0xffff;
	[tilespmem:s25+$0x0] =	vst v6  }
0xf6: {  	s28 =	sadd.s32 $0x100, s28;
	v3 =	vld.idx.msk [tilespmem:v7+s4+$0x0], $0xffff;
	[tilespmem:s25+$0xFFFFFFA0] =	vst v8  }
0xf7: {  	[tilespmem:s25+$0xFFFFFFB0] =	vst v5  }
0xf8: {  	[tilespmem:s25+$0xFFFFFFC0] =	vst v4  }
0xf9: {  	[tilespmem:s25+$0xFFFFFFD0] =	vst v0  }
0xfa: {  	[tilespmem:s25+$0xFFFFFFE0] =	vst v1  }
0xfb: {  	s24 =	sadd.s32 s24, s15;
	s26 =	simm.s32 $0x1A780;
	[tilespmem:s25+$0xFFFFFFF0] =	vst v2  }
0xfc: {  	s28 =	simm.s32 $0x1A880;
	s29 =	sadd.s32 $0x0, s24;
	[tilespmem:s25+$0xFFFFFF90] =	vst v3;
	s25 =	simm.s32 $0x80  }
.LBB2_25:
0xfd: {  	[hbm4b:s29+s4] =	stream.linear.scatter [tilespmem:s26], [sflag:$0x2], $0x80, $0x38;
	[tilespmem:$0x1C700] =	vst v63  }
0xfe: {  	s29 =	smov.u32 s25;
	s26 =	smov.u32 s28;
	p0 =	sne.s32 s25, $0xF80  }
.Ltmp15:
0xff: {  	s25 =	sadd.s32 $0x80, s25;
	(pc) =	sbr.rel @p0 .LBB2_25-.Ltmp15, $2  }
0x100: {  	_ =	sdelay $0x2  }
0x101: {  	s28 =	sadd.s32 $0x100, s28;
	s29 =	sadd.s32 s29, s24  }
0x102: {  	p0 =	seq.s32 s23, $0x19  }
.Ltmp16:
0x103: {  	_ = 	snop;
	(pc) =	sbr.rel @p0 .LBB2_30-.Ltmp16, $3  }
0x104: {  	_ =	sdelay $0x1  }
0x105: {  	[hbm4b:s29+s4] =	stream.linear.scatter [tilespmem:s26], [sflag:$0x2], $0x80, $0x38;
	[tilespmem:$0x1C700] =	vst v63  }
0x106: {  	s23 =	sadd.s32 $0x1, s23  }
0x107: {  	s24 =	sshll.u32 s23, $0x4  }
0x108: {  	s25 =	sshll.u32 s23, $0xB;
	s24 =	sand.u32 $0x70, s24  }
0x109: {  	s25 =	sand.u32 $0x1C000, s25;
	s24 =	sadd.s32 s1, s24  }
0x10a: {  	s26 =	simm.s32 $0x80;
	s24 =	sadd.s32 s25, s24  }
0x10b: {  	s28 =	simm.s32 $0x18800;
	s25 =	simm.s32 $0x18700;
	s29 =	sadd.s32 $0x0, s24  }
.LBB2_28:
0x10c: {  	[tilespmem:s25], [sflag:$0x1] =	stream.linear.gather [hbm4b:s29+s4], $0x80, $0x38;
	[tilespmem:$0x1C700] =	vst v63  }
0x10d: {  	s29 =	smov.u32 s26;
	s25 =	smov.u32 s28;
	p0 =	sne.s32 s26, $0xF80  }
.Ltmp17:
0x10e: {  	s26 =	sadd.s32 $0x80, s26;
	(pc) =	sbr.rel @p0 .LBB2_28-.Ltmp17, $2  }
0x10f: {  	_ =	sdelay $0x2  }
0x110: {  	s28 =	sadd.s32 $0x100, s28;
	s29 =	sadd.s32 s29, s24  }
0x111: {  	s24 =	smul.u32 $0x30E000, s23  }
0x112: {  	[tilespmem:s25], [sflag:$0x1] =	stream.linear.gather [hbm4b:s29+s4], $0x80, $0x38;
	[tilespmem:$0x1C700] =	vst v63  }
.Ltmp18:
0x113: {  	_ = 	snop;
	(pc) =	sbr.rel .LBB2_30-.Ltmp18, $4  }
0x114: {  	s24 =	sadd.s32 s7, s24  }
0x115: {  	s24 =	sshrl.u32 s24, $0x3  }
0x116: {  	s24 =	sadd.s32 s2, s24  }
0x117: {  	[tilespmem:s4], [sflag:$0x3] =	stream.strided.gather [hbm4b:s24+s17], $0x18700, s18, s17, $0x38;
	[tilespmem:$0x1C700] =	vst v63  }
.LBB2_32:
0x118: {  	_ =	sfence.sel $0x180000  }
0x119: {  	[bflag:$0x0] =	sbarrier.arrive $0xFFFF  }
0x11a: {  	p0 =	sne.s32 s3, $0x0;
	_ =	strace $0x90000047  }
0x11b: {  	s0 =	sadd.s32 @!p0 $0x100000, s0;
	[bflag:$0x2] =	sbarrier.arrive $0xFFFF  }
0x11c: {  	[sflag:s0] =	ssyncadd.tile.s32 @!p0 $0x1;
	_ =	shalt  }
.Lfunc_end2:
_tile_overlayer_lowered:
.L_overlay_start_2:
0x11d: {  	(tag) =	ssettag $0x2  }
0x11e: {  	s0 =	rddreg [dreg:$0x0];
	s2 =	stileid.u32  }
0x11f: {  	s1 =	rddreg [dreg:$0x1];
	p0 =	sne.s32 s2, $0x0  }
0x120: {  	s3 =	rddreg [dreg:$0x2];
	[bflag:$0x3] =	sbarrier.arrive $0xFFFF;
	s2 =	simm.s32 @!p0 $0x1C04  }
0x121: {  	[timem:s3], [sflag:s2] =	dma.local @!p0 [hbm:s0], s1  }
0x122: {  	s0 =	simm.s32 @!p0 $0x4  }
0x123: {  	_ =	swait.ge @!p0 [sflag:s0], s1  }
0x124: {  	s1 =	ssub.s32 @!p0 $0x0, s1;
	[sflag:s0] =	ssyncset.done @!p0 $0x0  }
0x125: {  	[sflag:s0] =	ssyncadd.s32 @!p0 s1  }
0x126: {  	[bflag:$0x3] =	sbarrier.arrive $0xFFFF  }
0x127: {  	_ =	shalt  }

</sc_bundles>
